<compile_context>
chip_gen: v7x
topology: tpu7x:2x2x1
jax: 0.10.2.dev20260603
libtpu: 0.0.44.dev20260713+nightly
codegen_flags: <defaults>
</compile_context>

<pallas_src>
import functools

import jax
import jax.numpy as jnp
from jax import lax
from jax.experimental import pallas as pl
from jax.experimental.pallas import tpu as pltpu
from jax.experimental.pallas import tpu_sc as plsc

B, S, F = 1024, 20, 26
V, D = 100000, 32
NUM_DIM, HID = 13, 128
CAT_DIM = F * D
M = S * B

NC, NS = 2, 16
NW = NC * NS
PAIRS = F * D
PER_W = PAIRS // NW
SCH = 5
CHUNK = SCH * B
NCH = S // SCH
NBUF = 2

assert PER_W * NW == PAIRS and NCH * SCH == S


def _gather_body(tab_hbm, cat_hbm, out_hbm, row_v, idx_v, out_v,
                 row_sem, out_sem0, out_sem1):
    wid = lax.axis_index("s") * NC + lax.axis_index("c")
    first = wid * PER_W
    out_sems = (out_sem0, out_sem1)

    pltpu.async_copy(tab_hbm.at[first // D, first % D], row_v, row_sem)

    def pair_body(k, carry):
        fd = first + k
        f = fd // D
        d = fd % D

        @pl.when((d == 0) | (k == 0))
        def _load_idx():
            pltpu.sync_copy(cat_hbm.at[f], idx_v)

        pltpu.make_async_copy(tab_hbm.at[f, d], row_v, row_sem).wait()

        for c in range(NCH):
            base = c * CHUNK
            buf = c % NBUF
            sem = out_sems[buf]

            @pl.when((k >= 1) | (c >= NBUF))
            def _drain():
                pltpu.make_async_copy(
                    out_v.at[buf], out_hbm.at[fd, pl.ds(base, CHUNK)], sem
                ).wait()

            @plsc.parallel_loop(0, CHUNK // 16, unroll=32)
            def gather_body(j):
                col = j * 16
                iv = idx_v[pl.ds(base + col, 16)]
                out_v[buf, pl.ds(col, 16)] = plsc.load_gather(row_v, [iv])

            pltpu.async_copy(
                out_v.at[buf], out_hbm.at[fd, pl.ds(base, CHUNK)], sem)

        @pl.when(k + 1 < PER_W)
        def _prefetch():
            fd2 = fd + 1
            pltpu.async_copy(tab_hbm.at[fd2 // D, fd2 % D], row_v, row_sem)

        return carry

    lax.fori_loop(0, PER_W, pair_body, 0)

    last = first + PER_W - 1
    for c in range(NCH - NBUF, NCH):
        pltpu.make_async_copy(
            out_v.at[c % NBUF], out_hbm.at[last, pl.ds(c * CHUNK, CHUNK)],
            out_sems[c % NBUF]
        ).wait()


_sc_gather = functools.partial(
    pl.kernel,
    out_type=jax.ShapeDtypeStruct((PAIRS, M), jnp.float32),
    mesh=plsc.VectorSubcoreMesh(
        core_axis_name="c", subcore_axis_name="s",
        num_cores=NC, num_subcores=NS,
    ),
    scratch_types=[
        pltpu.VMEM((V,), jnp.float32),
        pltpu.VMEM((M,), jnp.int32),
        pltpu.VMEM((NBUF, CHUNK), jnp.float32),
        pltpu.SemaphoreType.DMA,
        pltpu.SemaphoreType.DMA,
        pltpu.SemaphoreType.DMA,
    ],
    compiler_params=pltpu.CompilerParams(needs_layout_passes=False),
)(_gather_body)


def _fuse_body(g_ref, n_ref, wt_ref, wn_ref, wb_ref, bn_ref, bf_ref, o_ref):
    dn = (((0,), (0,)), ((), ()))
    cat_part = lax.dot_general(g_ref[...], wt_ref[...], dn,
                               preferred_element_type=jnp.float32)
    num_feat = lax.dot_general(n_ref[...], wn_ref[...], dn,
                               preferred_element_type=jnp.float32) + bn_ref[...]
    o_ref[...] = (
        cat_part
        + jnp.dot(num_feat, wb_ref[...], preferred_element_type=jnp.float32)
        + bf_ref[...]
    )


BBLK = 2048


def _fuse(gathered_t, num_t, w_top, w_num, w_bot, b_num2d, b_fuse2d):
    return pl.pallas_call(
        _fuse_body,
        grid=(M // BBLK,),
        in_specs=[
            pl.BlockSpec((CAT_DIM, BBLK), lambda i: (0, i)),
            pl.BlockSpec((NUM_DIM, BBLK), lambda i: (0, i)),
            pl.BlockSpec((CAT_DIM, HID), lambda i: (0, 0)),
            pl.BlockSpec((NUM_DIM, HID), lambda i: (0, 0)),
            pl.BlockSpec((HID, HID), lambda i: (0, 0)),
            pl.BlockSpec((1, HID), lambda i: (0, 0)),
            pl.BlockSpec((1, HID), lambda i: (0, 0)),
        ],
        out_specs=pl.BlockSpec((BBLK, HID), lambda i: (i, 0)),
        out_shape=jax.ShapeDtypeStruct((M, HID), jnp.float32),
    )(gathered_t, num_t, w_top, w_num, w_bot, b_num2d, b_fuse2d)


def kernel(categorical, numerical, tables, W_num, b_num, W_fuse, b_fuse):
    tab_t = jnp.swapaxes(tables, 1, 2)
    cat_t = jnp.transpose(categorical, (2, 1, 0)).reshape(F, M)
    num_t = jnp.transpose(numerical, (2, 1, 0)).reshape(NUM_DIM, M)
    gathered_t = _sc_gather(tab_t, cat_t.astype(jnp.int32))
    out2 = _fuse(
        gathered_t,
        num_t,
        W_fuse[:CAT_DIM],
        W_num,
        W_fuse[CAT_DIM:],
        b_num.reshape(1, HID),
        b_fuse.reshape(1, HID),
    )
    return jnp.swapaxes(out2.reshape(S, B, HID), 0, 1)

# --- scband reference (transcript-rebuilt; emitter-appended) ---
"""Pipeline reference for scband-feature-encoder-30545807409333 (READ-ONLY COPY).

The authoritative reference and input builder live on the scoring server;
editing this copy changes nothing except your own understanding.
"""

import jax, jax.numpy as jnp
import numpy as np

B, S, F = 1024, 20, 26
V, D = 100000, 32
NUM_DIM, HID = 13, 128
CAT_DIM = F * D
FUSE_IN = CAT_DIM + HID

def setup_inputs(seed: int = 0) -> dict:
    key = jax.random.key(seed)
    k1, k2, k3, k4, k5, k6, k7 = jax.random.split(key, 7)
    categorical = jax.random.randint(k1, (B, S, F), 0, V, dtype=jnp.int64)
    numerical = jax.random.normal(k2, (B, S, NUM_DIM), dtype=jnp.float32)
    tables = jax.random.normal(k3, (F, V, D), dtype=jnp.float32) * 0.02
    W_num = jax.random.normal(k4, (NUM_DIM, HID), dtype=jnp.float32) * (1.0 / np.sqrt(NUM_DIM))
    b_num = jax.random.normal(k5, (HID,), dtype=jnp.float32) * 0.01
    W_fuse = jax.random.normal(k6, (FUSE_IN, HID), dtype=jnp.float32) * (1.0 / np.sqrt(FUSE_IN))
    b_fuse = jax.random.normal(k7, (HID,), dtype=jnp.float32) * 0.01
    return {"categorical": categorical, "numerical": numerical, "tables": tables,
            "W_num": W_num, "b_num": b_num, "W_fuse": W_fuse, "b_fuse": b_fuse}

def reference(categorical, numerical, tables, W_num, b_num, W_fuse, b_fuse):
    # Categorical embedding lookups: one table per field, concatenated on last dim
    embs = [jnp.take(tables[i], categorical[:, :, i], axis=0) for i in range(F)]
    cat_feat = jnp.concatenate(embs, axis=-1)  # (B, S, F*D)
    # Numerical linear encoder
    num_feat = numerical @ W_num + b_num      # (B, S, HID)
    combined = jnp.concatenate([cat_feat, num_feat], axis=-1)  # (B, S, F*D+HID)
    out = combined @ W_fuse + b_fuse           # (B, S, HID)
    return out

if __name__ == "__main__":
    import jax
    _d = setup_inputs()
    print(jax.jit(kernel)(*tuple(_d.values())))

</pallas_src>

<mosaic_0001>
#map = affine_map<(d0, d1) -> (0, 0, 0)>
#map1 = affine_map<(d0, d1) -> (0, 0)>
module attributes {stable_mosaic.version = 14 : i64} {
  func.func @_gather_body(%arg0: i32, %arg1: i32, %arg2: memref<26x32x100000xf32, #tpu.memory_space<hbm>>, %arg3: memref<26x20480xi32, #tpu.memory_space<hbm>>, %arg4: memref<832x20480xf32, #tpu.memory_space<hbm>>, %arg5: memref<100000xf32, #tpu.memory_space<vmem>>, %arg6: memref<20480xi32, #tpu.memory_space<vmem>>, %arg7: memref<2x5120xf32, #tpu.memory_space<vmem>>, %arg8: memref<!tpu.dma_semaphore, #tpu.memory_space<semaphore_mem>>, %arg9: memref<!tpu.dma_semaphore, #tpu.memory_space<semaphore_mem>>, %arg10: memref<!tpu.dma_semaphore, #tpu.memory_space<semaphore_mem>>) attributes {dimension_semantics = [#tpu.dimension_semantics<core_parallel>, #tpu.dimension_semantics<subcore_parallel>], iteration_bounds = array<i64: 2, 16>, scalar_prefetch = 0 : i64, scratch_operands = 6 : i64, tpu.core_type = #tpu.core_type<sc_vector_subcore>, window_params = [{transform_indices = #map}, {transform_indices = #map1}, {transform_indices = #map1}]} {
    %mul3A = arith.constant 2 : i32
    %mul3A_0 = arith.muli %arg1, %mul3A : i32
    %add3A = arith.addi %mul3A_0, %arg0 : i32
    %mul3A_1 = arith.constant 26 : i32
    %mul3A_2 = arith.muli %add3A, %mul3A_1 : i32
    %jit3A = arith.constant 32 : i32
    %div3A = arith.divsi %mul3A_2, %jit3A : i32
    %sign3A = arith.constant 0 : i32
    %sign3A_3 = arith.cmpi sgt, %mul3A_2, %sign3A : i32
    %sign3A_4 = arith.extui %sign3A_3 : i1 to i32
    %sign3A_5 = arith.constant 0 : i32
    %sign3A_6 = arith.cmpi slt, %mul3A_2, %sign3A_5 : i32
    %sign3A_7 = arith.extui %sign3A_6 : i1 to i32
    %sign3A_8 = arith.subi %sign3A_4, %sign3A_7 : i32
    %sign3A_9 = arith.constant 0 : i32
    %sign3A_10 = arith.cmpi sgt, %jit3A, %sign3A_9 : i32
    %sign3A_11 = arith.extui %sign3A_10 : i1 to i32
    %sign3A_12 = arith.constant 0 : i32
    %sign3A_13 = arith.cmpi slt, %jit3A, %sign3A_12 : i32
    %sign3A_14 = arith.extui %sign3A_13 : i1 to i32
    %sign3A_15 = arith.subi %sign3A_11, %sign3A_14 : i32
    %ne3A = arith.cmpi ne, %sign3A_8, %sign3A_15 : i32
    %rem3A = arith.remsi %mul3A_2, %jit3A : i32
    %ne3A_16 = arith.constant 0 : i32
    %ne3A_17 = arith.cmpi ne, %rem3A, %ne3A_16 : i32
    %and3A = arith.andi %ne3A, %ne3A_17 : i1
    %sub3A = arith.constant 1 : i32
    %sub3A_18 = arith.subi %div3A, %sub3A : i32
    %select_n3A = arith.select %and3A, %sub3A_18, %div3A : i32
    %jit3A_19 = arith.constant 32 : i32
    %eq3A = arith.constant 0 : i32
    %eq3A_20 = arith.cmpi eq, %jit3A_19, %eq3A : i32
    %jit3A_21 = arith.constant 1 : i32
    %select_n3A_22 = arith.select %eq3A_20, %jit3A_21, %jit3A_19 : i32
    %rem3A_23 = arith.remsi %mul3A_2, %select_n3A_22 : i32
    %ne3A_24 = arith.constant 0 : i32
    %ne3A_25 = arith.cmpi ne, %rem3A_23, %ne3A_24 : i32
    %lt3A = arith.constant 0 : i32
    %lt3A_26 = arith.cmpi slt, %rem3A_23, %lt3A : i32
    %lt3A_27 = arith.constant 0 : i32
    %lt3A_28 = arith.cmpi slt, %select_n3A_22, %lt3A_27 : i32
    %ne3A_29 = arith.xori %lt3A_26, %lt3A_28 : i1
    %and3A_30 = arith.andi %ne3A_29, %ne3A_25 : i1
    %add3A_31 = arith.addi %rem3A_23, %select_n3A_22 : i32
    %select_n3A_32 = arith.select %and3A_30, %add3A_31, %rem3A_23 : i32
    %dma_start3A = arith.constant 0 : i32
    %dma_start3A_33 = tpu.memref_slice %arg2[%select_n3A, %select_n3A_32, %dma_start3A] : memref<26x32x100000xf32, #tpu.memory_space<hbm>> -> memref<1x1x100000xf32, #tpu.memory_space<hbm>>
    %dma_start3A_34 = tpu.memref_squeeze %dma_start3A_33 : memref<1x1x100000xf32, #tpu.memory_space<hbm>> -> memref<100000xf32, #tpu.memory_space<hbm>>
    %dma_start3A_35 = arith.constant 0 : i32
    %dma_start3A_36 = tpu.memref_slice %arg2[%select_n3A, %select_n3A_32, %dma_start3A_35] : memref<26x32x100000xf32, #tpu.memory_space<hbm>> -> memref<1x1x100000xf32, #tpu.memory_space<hbm>>
    %dma_start3A_37 = tpu.memref_squeeze %dma_start3A_36 : memref<1x1x100000xf32, #tpu.memory_space<hbm>> -> memref<100000xf32, #tpu.memory_space<hbm>>
    tpu.enqueue_dma source(%dma_start3A_37 : memref<100000xf32, #tpu.memory_space<hbm>>) target(%arg5 : memref<100000xf32, #tpu.memory_space<vmem>>) target_semaphore(%arg8 : memref<!tpu.dma_semaphore, #tpu.memory_space<semaphore_mem>>)
    %scan3A = arith.constant 0 : i32
    %scan3A_38 = arith.constant 0 : i32
    %scan3A_39 = arith.constant 26 : i32
    %scan3A_40 = arith.addi %scan3A_38, %scan3A_39 : i32
    %scan3A_41 = arith.constant 1 : i32
    scf.for %scan3A_72 = %scan3A_38 to %scan3A_40 step %scan3A_41  : i32 {
      %add3A_73 = arith.addi %mul3A_2, %scan3A_72 : i32
      %jit3A_74 = arith.constant 32 : i32
      %div3A_75 = arith.divsi %add3A_73, %jit3A_74 : i32
      %sign3A_76 = arith.constant 0 : i32
      %sign3A_77 = arith.cmpi sgt, %add3A_73, %sign3A_76 : i32
      %sign3A_78 = arith.extui %sign3A_77 : i1 to i32
      %sign3A_79 = arith.constant 0 : i32
      %sign3A_80 = arith.cmpi slt, %add3A_73, %sign3A_79 : i32
      %sign3A_81 = arith.extui %sign3A_80 : i1 to i32
      %sign3A_82 = arith.subi %sign3A_78, %sign3A_81 : i32
      %sign3A_83 = arith.constant 0 : i32
      %sign3A_84 = arith.cmpi sgt, %jit3A_74, %sign3A_83 : i32
      %sign3A_85 = arith.extui %sign3A_84 : i1 to i32
      %sign3A_86 = arith.constant 0 : i32
      %sign3A_87 = arith.cmpi slt, %jit3A_74, %sign3A_86 : i32
      %sign3A_88 = arith.extui %sign3A_87 : i1 to i32
      %sign3A_89 = arith.subi %sign3A_85, %sign3A_88 : i32
      %ne3A_90 = arith.cmpi ne, %sign3A_82, %sign3A_89 : i32
      %rem3A_91 = arith.remsi %add3A_73, %jit3A_74 : i32
      %ne3A_92 = arith.constant 0 : i32
      %ne3A_93 = arith.cmpi ne, %rem3A_91, %ne3A_92 : i32
      %and3A_94 = arith.andi %ne3A_90, %ne3A_93 : i1
      %sub3A_95 = arith.constant 1 : i32
      %sub3A_96 = arith.subi %div3A_75, %sub3A_95 : i32
      %select_n3A_97 = arith.select %and3A_94, %sub3A_96, %div3A_75 : i32
      %jit3A_98 = arith.constant 32 : i32
      %eq3A_99 = arith.constant 0 : i32
      %eq3A_100 = arith.cmpi eq, %jit3A_98, %eq3A_99 : i32
      %jit3A_101 = arith.constant 1 : i32
      %select_n3A_102 = arith.select %eq3A_100, %jit3A_101, %jit3A_98 : i32
      %rem3A_103 = arith.remsi %add3A_73, %select_n3A_102 : i32
      %ne3A_104 = arith.constant 0 : i32
      %ne3A_105 = arith.cmpi ne, %rem3A_103, %ne3A_104 : i32
      %lt3A_106 = arith.constant 0 : i32
      %lt3A_107 = arith.cmpi slt, %rem3A_103, %lt3A_106 : i32
      %lt3A_108 = arith.constant 0 : i32
      %lt3A_109 = arith.cmpi slt, %select_n3A_102, %lt3A_108 : i32
      %ne3A_110 = arith.xori %lt3A_107, %lt3A_109 : i1
      %and3A_111 = arith.andi %ne3A_110, %ne3A_105 : i1
      %add3A_112 = arith.addi %rem3A_103, %select_n3A_102 : i32
      %select_n3A_113 = arith.select %and3A_111, %add3A_112, %rem3A_103 : i32
      %eq3A_114 = arith.constant 0 : i32
      %eq3A_115 = arith.cmpi eq, %select_n3A_113, %eq3A_114 : i32
      %eq3A_116 = arith.constant 0 : i32
      %eq3A_117 = arith.cmpi eq, %scan3A_72, %eq3A_116 : i32
      %or3A = arith.ori %eq3A_115, %eq3A_117 : i1
      %convert_element_type3A = arith.extui %or3A : i1 to i32
      %cond3A = arith.constant 0 : i32
      %cond3A_118 = arith.cmpi ne, %convert_element_type3A, %cond3A : i32
      scf.if %cond3A_118 {
        "tpu.region"() ({
          %run_scoped3A = tpu.sem_alloc : memref<!tpu.dma_semaphore, #tpu.memory_space<semaphore_mem>>
          %dma_start3A_222 = arith.constant 0 : i32
          %dma_start3A_223 = tpu.memref_slice %arg3[%select_n3A_97, %dma_start3A_222] : memref<26x20480xi32, #tpu.memory_space<hbm>> -> memref<1x20480xi32, #tpu.memory_space<hbm>>
          %dma_start3A_224 = tpu.memref_squeeze %dma_start3A_223 : memref<1x20480xi32, #tpu.memory_space<hbm>> -> memref<20480xi32, #tpu.memory_space<hbm>>
          %dma_start3A_225 = arith.constant 0 : i32
          %dma_start3A_226 = tpu.memref_slice %arg3[%select_n3A_97, %dma_start3A_225] : memref<26x20480xi32, #tpu.memory_space<hbm>> -> memref<1x20480xi32, #tpu.memory_space<hbm>>
          %dma_start3A_227 = tpu.memref_squeeze %dma_start3A_226 : memref<1x20480xi32, #tpu.memory_space<hbm>> -> memref<20480xi32, #tpu.memory_space<hbm>>
          tpu.enqueue_dma source(%dma_start3A_227 : memref<20480xi32, #tpu.memory_space<hbm>>) target(%arg6 : memref<20480xi32, #tpu.memory_space<vmem>>) target_semaphore(%run_scoped3A : memref<!tpu.dma_semaphore, #tpu.memory_space<semaphore_mem>>)
          %dma_wait3A_228 = arith.constant 0 : i32
          %dma_wait3A_229 = tpu.memref_slice %arg3[%select_n3A_97, %dma_wait3A_228] : memref<26x20480xi32, #tpu.memory_space<hbm>> -> memref<1x20480xi32, #tpu.memory_space<hbm>>
          %dma_wait3A_230 = tpu.memref_squeeze %dma_wait3A_229 : memref<1x20480xi32, #tpu.memory_space<hbm>> -> memref<20480xi32, #tpu.memory_space<hbm>>
          %dma_wait3A_231 = arith.constant 0 : i32
          %dma_wait3A_232 = tpu.memref_slice %arg3[%select_n3A_97, %dma_wait3A_231] : memref<26x20480xi32, #tpu.memory_space<hbm>> -> memref<1x20480xi32, #tpu.memory_space<hbm>>
          %dma_wait3A_233 = tpu.memref_squeeze %dma_wait3A_232 : memref<1x20480xi32, #tpu.memory_space<hbm>> -> memref<20480xi32, #tpu.memory_space<hbm>>
          tpu.wait_dma2 semaphore(%run_scoped3A : memref<!tpu.dma_semaphore, #tpu.memory_space<semaphore_mem>>) src(%dma_wait3A_233 : memref<20480xi32, #tpu.memory_space<hbm>>) dst(%arg6 : memref<20480xi32, #tpu.memory_space<vmem>>)
          tpu.yield
        }) : () -> ()
      } else {
      }
      %dma_wait3A_119 = arith.constant 0 : i32
      %dma_wait3A_120 = tpu.memref_slice %arg2[%select_n3A_97, %select_n3A_113, %dma_wait3A_119] : memref<26x32x100000xf32, #tpu.memory_space<hbm>> -> memref<1x1x100000xf32, #tpu.memory_space<hbm>>
      %dma_wait3A_121 = tpu.memref_squeeze %dma_wait3A_120 : memref<1x1x100000xf32, #tpu.memory_space<hbm>> -> memref<100000xf32, #tpu.memory_space<hbm>>
      %dma_wait3A_122 = arith.constant 0 : i32
      %dma_wait3A_123 = tpu.memref_slice %arg2[%select_n3A_97, %select_n3A_113, %dma_wait3A_122] : memref<26x32x100000xf32, #tpu.memory_space<hbm>> -> memref<1x1x100000xf32, #tpu.memory_space<hbm>>
      %dma_wait3A_124 = tpu.memref_squeeze %dma_wait3A_123 : memref<1x1x100000xf32, #tpu.memory_space<hbm>> -> memref<100000xf32, #tpu.memory_space<hbm>>
      tpu.wait_dma2 semaphore(%arg8 : memref<!tpu.dma_semaphore, #tpu.memory_space<semaphore_mem>>) src(%dma_wait3A_124 : memref<100000xf32, #tpu.memory_space<hbm>>) dst(%arg5 : memref<100000xf32, #tpu.memory_space<vmem>>)
      %ge3A = arith.constant 1 : i32
      %ge3A_125 = arith.cmpi sge, %scan3A_72, %ge3A : i32
      %or3A_126 = arith.constant false
      %or3A_127 = arith.ori %ge3A_125, %or3A_126 : i1
      %convert_element_type3A_128 = arith.extui %or3A_127 : i1 to i32
      %cond3A_129 = arith.constant 0 : i32
      %cond3A_130 = arith.cmpi ne, %convert_element_type3A_128, %cond3A_129 : i32
      scf.if %cond3A_130 {
        %dma_wait3A_222 = arith.constant 0 : i32
        %dma_wait3A_223 = arith.constant 0 : i32
        %dma_wait3A_224 = tpu.memref_slice %arg7[%dma_wait3A_222, %dma_wait3A_223] : memref<2x5120xf32, #tpu.memory_space<vmem>> -> memref<1x5120xf32, #tpu.memory_space<vmem>>
        %dma_wait3A_225 = tpu.memref_squeeze %dma_wait3A_224 : memref<1x5120xf32, #tpu.memory_space<vmem>> -> memref<5120xf32, #tpu.memory_space<vmem>>
        %dma_wait3A_226 = arith.constant 0 : i32
        %dma_wait3A_227 = tpu.memref_slice %arg4[%add3A_73, %dma_wait3A_226] : memref<832x20480xf32, #tpu.memory_space<hbm>> -> memref<1x5120xf32, #tpu.memory_space<hbm>>
        %dma_wait3A_228 = tpu.memref_squeeze %dma_wait3A_227 : memref<1x5120xf32, #tpu.memory_space<hbm>> -> memref<5120xf32, #tpu.memory_space<hbm>>
        %dma_wait3A_229 = arith.constant 0 : i32
        %dma_wait3A_230 = tpu.memref_slice %arg4[%add3A_73, %dma_wait3A_229] : memref<832x20480xf32, #tpu.memory_space<hbm>> -> memref<1x5120xf32, #tpu.memory_space<hbm>>
        %dma_wait3A_231 = tpu.memref_squeeze %dma_wait3A_230 : memref<1x5120xf32, #tpu.memory_space<hbm>> -> memref<5120xf32, #tpu.memory_space<hbm>>
        %dma_wait3A_232 = arith.constant 0 : i32
        %dma_wait3A_233 = tpu.memref_slice %arg7[%dma_wait3A_222, %dma_wait3A_232] : memref<2x5120xf32, #tpu.memory_space<vmem>> -> memref<1x5120xf32, #tpu.memory_space<vmem>>
        %dma_wait3A_234 = tpu.memref_squeeze %dma_wait3A_233 : memref<1x5120xf32, #tpu.memory_space<vmem>> -> memref<5120xf32, #tpu.memory_space<vmem>>
        tpu.wait_dma2 semaphore(%arg9 : memref<!tpu.dma_semaphore, #tpu.memory_space<semaphore_mem>>) src(%dma_wait3A_234 : memref<5120xf32, #tpu.memory_space<vmem>>) dst(%dma_wait3A_231 : memref<5120xf32, #tpu.memory_space<hbm>>)
      } else {
      }
      %parallel_loop3A = arith.constant 0 : i32
      %parallel_loop3A_131 = arith.constant 320 : i32
      %parallel_loop3A_132 = arith.constant 1 : i32
      scf.for %parallel_loop3A_222 = %parallel_loop3A to %parallel_loop3A_131 step %parallel_loop3A_132  : i32 {
        %parallel_loop3A_223 = arith.constant 16 : i32
        %parallel_loop3A_224 = arith.muli %parallel_loop3A_222, %parallel_loop3A_223 : i32
        %parallel_loop3A_225 = arith.constant 0 : i32
        %parallel_loop3A_226 = arith.addi %parallel_loop3A_225, %parallel_loop3A_224 : i32
        %parallel_loop3A_227 = arith.index_cast %parallel_loop3A_226 : i32 to index
        %parallel_loop3A_228 = tpu.vector_load %arg6[%parallel_loop3A_227] {strides = array<i32>} : memref<20480xi32, #tpu.memory_space<vmem>>, vector<16xi32>,
        %parallel_loop3A_229 = tpu.vector_load_idx %arg5[%parallel_loop3A_228] : memref<100000xf32, #tpu.memory_space<vmem>>[vector<16xi32>], vector<16xf32>,
        %parallel_loop3A_230 = arith.constant 0 : i32
        %parallel_loop3A_231 = arith.index_cast %parallel_loop3A_230 : i32 to index
        %parallel_loop3A_232 = arith.index_cast %parallel_loop3A_224 : i32 to index
        %parallel_loop3A_233 = tpu.vector_load %arg7[%parallel_loop3A_231, %parallel_loop3A_232] {strides = array<i32>} : memref<2x5120xf32, #tpu.memory_space<vmem>>, vector<16xf32>,
        tpu.vector_store %arg7[%parallel_loop3A_231, %parallel_loop3A_232], %parallel_loop3A_229 {strides = array<i32>} : memref<2x5120xf32, #tpu.memory_space<vmem>>, vector<16xf32>,
      } {sc.loop_unroll_factor = 32 : i64, sc.parallel_access}
      %dma_start3A_133 = arith.constant 0 : i32
      %dma_start3A_134 = arith.constant 0 : i32
      %dma_start3A_135 = tpu.memref_slice %arg7[%dma_start3A_133, %dma_start3A_134] : memref<2x5120xf32, #tpu.memory_space<vmem>> -> memref<1x5120xf32, #tpu.memory_space<vmem>>
      %dma_start3A_136 = tpu.memref_squeeze %dma_start3A_135 : memref<1x5120xf32, #tpu.memory_space<vmem>> -> memref<5120xf32, #tpu.memory_space<vmem>>
      %dma_start3A_137 = arith.constant 0 : i32
      %dma_start3A_138 = tpu.memref_slice %arg4[%add3A_73, %dma_start3A_137] : memref<832x20480xf32, #tpu.memory_space<hbm>> -> memref<1x5120xf32, #tpu.memory_space<hbm>>
      %dma_start3A_139 = tpu.memref_squeeze %dma_start3A_138 : memref<1x5120xf32, #tpu.memory_space<hbm>> -> memref<5120xf32, #tpu.memory_space<hbm>>
      %dma_start3A_140 = arith.constant 0 : i32
      %dma_start3A_141 = tpu.memref_slice %arg4[%add3A_73, %dma_start3A_140] : memref<832x20480xf32, #tpu.memory_space<hbm>> -> memref<1x5120xf32, #tpu.memory_space<hbm>>
      %dma_start3A_142 = tpu.memref_squeeze %dma_start3A_141 : memref<1x5120xf32, #tpu.memory_space<hbm>> -> memref<5120xf32, #tpu.memory_space<hbm>>
      %dma_start3A_143 = arith.constant 0 : i32
      %dma_start3A_144 = tpu.memref_slice %arg7[%dma_start3A_133, %dma_start3A_143] : memref<2x5120xf32, #tpu.memory_space<vmem>> -> memref<1x5120xf32, #tpu.memory_space<vmem>>
      %dma_start3A_145 = tpu.memref_squeeze %dma_start3A_144 : memref<1x5120xf32, #tpu.memory_space<vmem>> -> memref<5120xf32, #tpu.memory_space<vmem>>
      tpu.enqueue_dma source(%dma_start3A_145 : memref<5120xf32, #tpu.memory_space<vmem>>) target(%dma_start3A_142 : memref<5120xf32, #tpu.memory_space<hbm>>) target_semaphore(%arg9 : memref<!tpu.dma_semaphore, #tpu.memory_space<semaphore_mem>>)
      %ge3A_146 = arith.constant 1 : i32
      %ge3A_147 = arith.cmpi sge, %scan3A_72, %ge3A_146 : i32
      %or3A_148 = arith.constant false
      %or3A_149 = arith.ori %ge3A_147, %or3A_148 : i1
      %convert_element_type3A_150 = arith.extui %or3A_149 : i1 to i32
      %cond3A_151 = arith.constant 0 : i32
      %cond3A_152 = arith.cmpi ne, %convert_element_type3A_150, %cond3A_151 : i32
      scf.if %cond3A_152 {
        %dma_wait3A_222 = arith.constant 1 : i32
        %dma_wait3A_223 = arith.constant 0 : i32
        %dma_wait3A_224 = tpu.memref_slice %arg7[%dma_wait3A_222, %dma_wait3A_223] : memref<2x5120xf32, #tpu.memory_space<vmem>> -> memref<1x5120xf32, #tpu.memory_space<vmem>>
        %dma_wait3A_225 = tpu.memref_squeeze %dma_wait3A_224 : memref<1x5120xf32, #tpu.memory_space<vmem>> -> memref<5120xf32, #tpu.memory_space<vmem>>
        %dma_wait3A_226 = arith.constant 5120 : i32
        %dma_wait3A_227 = tpu.memref_slice %arg4[%add3A_73, %dma_wait3A_226] : memref<832x20480xf32, #tpu.memory_space<hbm>> -> memref<1x5120xf32, #tpu.memory_space<hbm>>
        %dma_wait3A_228 = tpu.memref_squeeze %dma_wait3A_227 : memref<1x5120xf32, #tpu.memory_space<hbm>> -> memref<5120xf32, #tpu.memory_space<hbm>>
        %dma_wait3A_229 = arith.constant 5120 : i32
        %dma_wait3A_230 = tpu.memref_slice %arg4[%add3A_73, %dma_wait3A_229] : memref<832x20480xf32, #tpu.memory_space<hbm>> -> memref<1x5120xf32, #tpu.memory_space<hbm>>
        %dma_wait3A_231 = tpu.memref_squeeze %dma_wait3A_230 : memref<1x5120xf32, #tpu.memory_space<hbm>> -> memref<5120xf32, #tpu.memory_space<hbm>>
        %dma_wait3A_232 = arith.constant 0 : i32
        %dma_wait3A_233 = tpu.memref_slice %arg7[%dma_wait3A_222, %dma_wait3A_232] : memref<2x5120xf32, #tpu.memory_space<vmem>> -> memref<1x5120xf32, #tpu.memory_space<vmem>>
        %dma_wait3A_234 = tpu.memref_squeeze %dma_wait3A_233 : memref<1x5120xf32, #tpu.memory_space<vmem>> -> memref<5120xf32, #tpu.memory_space<vmem>>
        tpu.wait_dma2 semaphore(%arg10 : memref<!tpu.dma_semaphore, #tpu.memory_space<semaphore_mem>>) src(%dma_wait3A_234 : memref<5120xf32, #tpu.memory_space<vmem>>) dst(%dma_wait3A_231 : memref<5120xf32, #tpu.memory_space<hbm>>)
      } else {
      }
      %parallel_loop3A_153 = arith.constant 0 : i32
      %parallel_loop3A_154 = arith.constant 320 : i32
      %parallel_loop3A_155 = arith.constant 1 : i32
      scf.for %parallel_loop3A_222 = %parallel_loop3A_153 to %parallel_loop3A_154 step %parallel_loop3A_155  : i32 {
        %parallel_loop3A_223 = arith.constant 16 : i32
        %parallel_loop3A_224 = arith.muli %parallel_loop3A_222, %parallel_loop3A_223 : i32
        %parallel_loop3A_225 = arith.constant 5120 : i32
        %parallel_loop3A_226 = arith.addi %parallel_loop3A_225, %parallel_loop3A_224 : i32
        %parallel_loop3A_227 = arith.index_cast %parallel_loop3A_226 : i32 to index
        %parallel_loop3A_228 = tpu.vector_load %arg6[%parallel_loop3A_227] {strides = array<i32>} : memref<20480xi32, #tpu.memory_space<vmem>>, vector<16xi32>,
        %parallel_loop3A_229 = tpu.vector_load_idx %arg5[%parallel_loop3A_228] : memref<100000xf32, #tpu.memory_space<vmem>>[vector<16xi32>], vector<16xf32>,
        %parallel_loop3A_230 = arith.constant 1 : i32
        %parallel_loop3A_231 = arith.index_cast %parallel_loop3A_230 : i32 to index
        %parallel_loop3A_232 = arith.index_cast %parallel_loop3A_224 : i32 to index
        %parallel_loop3A_233 = tpu.vector_load %arg7[%parallel_loop3A_231, %parallel_loop3A_232] {strides = array<i32>} : memref<2x5120xf32, #tpu.memory_space<vmem>>, vector<16xf32>,
        tpu.vector_store %arg7[%parallel_loop3A_231, %parallel_loop3A_232], %parallel_loop3A_229 {strides = array<i32>} : memref<2x5120xf32, #tpu.memory_space<vmem>>, vector<16xf32>,
      } {sc.loop_unroll_factor = 32 : i64, sc.parallel_access}
      %dma_start3A_156 = arith.constant 1 : i32
      %dma_start3A_157 = arith.constant 0 : i32
      %dma_start3A_158 = tpu.memref_slice %arg7[%dma_start3A_156, %dma_start3A_157] : memref<2x5120xf32, #tpu.memory_space<vmem>> -> memref<1x5120xf32, #tpu.memory_space<vmem>>
      %dma_start3A_159 = tpu.memref_squeeze %dma_start3A_158 : memref<1x5120xf32, #tpu.memory_space<vmem>> -> memref<5120xf32, #tpu.memory_space<vmem>>
      %dma_start3A_160 = arith.constant 5120 : i32
      %dma_start3A_161 = tpu.memref_slice %arg4[%add3A_73, %dma_start3A_160] : memref<832x20480xf32, #tpu.memory_space<hbm>> -> memref<1x5120xf32, #tpu.memory_space<hbm>>
      %dma_start3A_162 = tpu.memref_squeeze %dma_start3A_161 : memref<1x5120xf32, #tpu.memory_space<hbm>> -> memref<5120xf32, #tpu.memory_space<hbm>>
      %dma_start3A_163 = arith.constant 5120 : i32
      %dma_start3A_164 = tpu.memref_slice %arg4[%add3A_73, %dma_start3A_163] : memref<832x20480xf32, #tpu.memory_space<hbm>> -> memref<1x5120xf32, #tpu.memory_space<hbm>>
      %dma_start3A_165 = tpu.memref_squeeze %dma_start3A_164 : memref<1x5120xf32, #tpu.memory_space<hbm>> -> memref<5120xf32, #tpu.memory_space<hbm>>
      %dma_start3A_166 = arith.constant 0 : i32
      %dma_start3A_167 = tpu.memref_slice %arg7[%dma_start3A_156, %dma_start3A_166] : memref<2x5120xf32, #tpu.memory_space<vmem>> -> memref<1x5120xf32, #tpu.memory_space<vmem>>
      %dma_start3A_168 = tpu.memref_squeeze %dma_start3A_167 : memref<1x5120xf32, #tpu.memory_space<vmem>> -> memref<5120xf32, #tpu.memory_space<vmem>>
      tpu.enqueue_dma source(%dma_start3A_168 : memref<5120xf32, #tpu.memory_space<vmem>>) target(%dma_start3A_165 : memref<5120xf32, #tpu.memory_space<hbm>>) target_semaphore(%arg10 : memref<!tpu.dma_semaphore, #tpu.memory_space<semaphore_mem>>)
      %ge3A_169 = arith.constant 1 : i32
      %ge3A_170 = arith.cmpi sge, %scan3A_72, %ge3A_169 : i32
      %or3A_171 = arith.constant true
      %or3A_172 = arith.ori %ge3A_170, %or3A_171 : i1
      %convert_element_type3A_173 = arith.extui %or3A_172 : i1 to i32
      %cond3A_174 = arith.constant 0 : i32
      %cond3A_175 = arith.cmpi ne, %convert_element_type3A_173, %cond3A_174 : i32
      scf.if %cond3A_175 {
        %dma_wait3A_222 = arith.constant 0 : i32
        %dma_wait3A_223 = arith.constant 0 : i32
        %dma_wait3A_224 = tpu.memref_slice %arg7[%dma_wait3A_222, %dma_wait3A_223] : memref<2x5120xf32, #tpu.memory_space<vmem>> -> memref<1x5120xf32, #tpu.memory_space<vmem>>
        %dma_wait3A_225 = tpu.memref_squeeze %dma_wait3A_224 : memref<1x5120xf32, #tpu.memory_space<vmem>> -> memref<5120xf32, #tpu.memory_space<vmem>>
        %dma_wait3A_226 = arith.constant 10240 : i32
        %dma_wait3A_227 = tpu.memref_slice %arg4[%add3A_73, %dma_wait3A_226] : memref<832x20480xf32, #tpu.memory_space<hbm>> -> memref<1x5120xf32, #tpu.memory_space<hbm>>
        %dma_wait3A_228 = tpu.memref_squeeze %dma_wait3A_227 : memref<1x5120xf32, #tpu.memory_space<hbm>> -> memref<5120xf32, #tpu.memory_space<hbm>>
        %dma_wait3A_229 = arith.constant 10240 : i32
        %dma_wait3A_230 = tpu.memref_slice %arg4[%add3A_73, %dma_wait3A_229] : memref<832x20480xf32, #tpu.memory_space<hbm>> -> memref<1x5120xf32, #tpu.memory_space<hbm>>
        %dma_wait3A_231 = tpu.memref_squeeze %dma_wait3A_230 : memref<1x5120xf32, #tpu.memory_space<hbm>> -> memref<5120xf32, #tpu.memory_space<hbm>>
        %dma_wait3A_232 = arith.constant 0 : i32
        %dma_wait3A_233 = tpu.memref_slice %arg7[%dma_wait3A_222, %dma_wait3A_232] : memref<2x5120xf32, #tpu.memory_space<vmem>> -> memref<1x5120xf32, #tpu.memory_space<vmem>>
        %dma_wait3A_234 = tpu.memref_squeeze %dma_wait3A_233 : memref<1x5120xf32, #tpu.memory_space<vmem>> -> memref<5120xf32, #tpu.memory_space<vmem>>
        tpu.wait_dma2 semaphore(%arg9 : memref<!tpu.dma_semaphore, #tpu.memory_space<semaphore_mem>>) src(%dma_wait3A_234 : memref<5120xf32, #tpu.memory_space<vmem>>) dst(%dma_wait3A_231 : memref<5120xf32, #tpu.memory_space<hbm>>)
      } else {
      }
      %parallel_loop3A_176 = arith.constant 0 : i32
      %parallel_loop3A_177 = arith.constant 320 : i32
      %parallel_loop3A_178 = arith.constant 1 : i32
      scf.for %parallel_loop3A_222 = %parallel_loop3A_176 to %parallel_loop3A_177 step %parallel_loop3A_178  : i32 {
        %parallel_loop3A_223 = arith.constant 16 : i32
        %parallel_loop3A_224 = arith.muli %parallel_loop3A_222, %parallel_loop3A_223 : i32
        %parallel_loop3A_225 = arith.constant 10240 : i32
        %parallel_loop3A_226 = arith.addi %parallel_loop3A_225, %parallel_loop3A_224 : i32
        %parallel_loop3A_227 = arith.index_cast %parallel_loop3A_226 : i32 to index
        %parallel_loop3A_228 = tpu.vector_load %arg6[%parallel_loop3A_227] {strides = array<i32>} : memref<20480xi32, #tpu.memory_space<vmem>>, vector<16xi32>,
        %parallel_loop3A_229 = tpu.vector_load_idx %arg5[%parallel_loop3A_228] : memref<100000xf32, #tpu.memory_space<vmem>>[vector<16xi32>], vector<16xf32>,
        %parallel_loop3A_230 = arith.constant 0 : i32
        %parallel_loop3A_231 = arith.index_cast %parallel_loop3A_230 : i32 to index
        %parallel_loop3A_232 = arith.index_cast %parallel_loop3A_224 : i32 to index
        %parallel_loop3A_233 = tpu.vector_load %arg7[%parallel_loop3A_231, %parallel_loop3A_232] {strides = array<i32>} : memref<2x5120xf32, #tpu.memory_space<vmem>>, vector<16xf32>,
        tpu.vector_store %arg7[%parallel_loop3A_231, %parallel_loop3A_232], %parallel_loop3A_229 {strides = array<i32>} : memref<2x5120xf32, #tpu.memory_space<vmem>>, vector<16xf32>,
      } {sc.loop_unroll_factor = 32 : i64, sc.parallel_access}
      %dma_start3A_179 = arith.constant 0 : i32
      %dma_start3A_180 = arith.constant 0 : i32
      %dma_start3A_181 = tpu.memref_slice %arg7[%dma_start3A_179, %dma_start3A_180] : memref<2x5120xf32, #tpu.memory_space<vmem>> -> memref<1x5120xf32, #tpu.memory_space<vmem>>
      %dma_start3A_182 = tpu.memref_squeeze %dma_start3A_181 : memref<1x5120xf32, #tpu.memory_space<vmem>> -> memref<5120xf32, #tpu.memory_space<vmem>>
      %dma_start3A_183 = arith.constant 10240 : i32
      %dma_start3A_184 = tpu.memref_slice %arg4[%add3A_73, %dma_start3A_183] : memref<832x20480xf32, #tpu.memory_space<hbm>> -> memref<1x5120xf32, #tpu.memory_space<hbm>>
      %dma_start3A_185 = tpu.memref_squeeze %dma_start3A_184 : memref<1x5120xf32, #tpu.memory_space<hbm>> -> memref<5120xf32, #tpu.memory_space<hbm>>
      %dma_start3A_186 = arith.constant 10240 : i32
      %dma_start3A_187 = tpu.memref_slice %arg4[%add3A_73, %dma_start3A_186] : memref<832x20480xf32, #tpu.memory_space<hbm>> -> memref<1x5120xf32, #tpu.memory_space<hbm>>
      %dma_start3A_188 = tpu.memref_squeeze %dma_start3A_187 : memref<1x5120xf32, #tpu.memory_space<hbm>> -> memref<5120xf32, #tpu.memory_space<hbm>>
      %dma_start3A_189 = arith.constant 0 : i32
      %dma_start3A_190 = tpu.memref_slice %arg7[%dma_start3A_179, %dma_start3A_189] : memref<2x5120xf32, #tpu.memory_space<vmem>> -> memref<1x5120xf32, #tpu.memory_space<vmem>>
      %dma_start3A_191 = tpu.memref_squeeze %dma_start3A_190 : memref<1x5120xf32, #tpu.memory_space<vmem>> -> memref<5120xf32, #tpu.memory_space<vmem>>
      tpu.enqueue_dma source(%dma_start3A_191 : memref<5120xf32, #tpu.memory_space<vmem>>) target(%dma_start3A_188 : memref<5120xf32, #tpu.memory_space<hbm>>) target_semaphore(%arg9 : memref<!tpu.dma_semaphore, #tpu.memory_space<semaphore_mem>>)
      %ge3A_192 = arith.constant 1 : i32
      %ge3A_193 = arith.cmpi sge, %scan3A_72, %ge3A_192 : i32
      %or3A_194 = arith.constant true
      %or3A_195 = arith.ori %ge3A_193, %or3A_194 : i1
      %convert_element_type3A_196 = arith.extui %or3A_195 : i1 to i32
      %cond3A_197 = arith.constant 0 : i32
      %cond3A_198 = arith.cmpi ne, %convert_element_type3A_196, %cond3A_197 : i32
      scf.if %cond3A_198 {
        %dma_wait3A_222 = arith.constant 1 : i32
        %dma_wait3A_223 = arith.constant 0 : i32
        %dma_wait3A_224 = tpu.memref_slice %arg7[%dma_wait3A_222, %dma_wait3A_223] : memref<2x5120xf32, #tpu.memory_space<vmem>> -> memref<1x5120xf32, #tpu.memory_space<vmem>>
        %dma_wait3A_225 = tpu.memref_squeeze %dma_wait3A_224 : memref<1x5120xf32, #tpu.memory_space<vmem>> -> memref<5120xf32, #tpu.memory_space<vmem>>
        %dma_wait3A_226 = arith.constant 15360 : i32
        %dma_wait3A_227 = tpu.memref_slice %arg4[%add3A_73, %dma_wait3A_226] : memref<832x20480xf32, #tpu.memory_space<hbm>> -> memref<1x5120xf32, #tpu.memory_space<hbm>>
        %dma_wait3A_228 = tpu.memref_squeeze %dma_wait3A_227 : memref<1x5120xf32, #tpu.memory_space<hbm>> -> memref<5120xf32, #tpu.memory_space<hbm>>
        %dma_wait3A_229 = arith.constant 15360 : i32
        %dma_wait3A_230 = tpu.memref_slice %arg4[%add3A_73, %dma_wait3A_229] : memref<832x20480xf32, #tpu.memory_space<hbm>> -> memref<1x5120xf32, #tpu.memory_space<hbm>>
        %dma_wait3A_231 = tpu.memref_squeeze %dma_wait3A_230 : memref<1x5120xf32, #tpu.memory_space<hbm>> -> memref<5120xf32, #tpu.memory_space<hbm>>
        %dma_wait3A_232 = arith.constant 0 : i32
        %dma_wait3A_233 = tpu.memref_slice %arg7[%dma_wait3A_222, %dma_wait3A_232] : memref<2x5120xf32, #tpu.memory_space<vmem>> -> memref<1x5120xf32, #tpu.memory_space<vmem>>
        %dma_wait3A_234 = tpu.memref_squeeze %dma_wait3A_233 : memref<1x5120xf32, #tpu.memory_space<vmem>> -> memref<5120xf32, #tpu.memory_space<vmem>>
        tpu.wait_dma2 semaphore(%arg10 : memref<!tpu.dma_semaphore, #tpu.memory_space<semaphore_mem>>) src(%dma_wait3A_234 : memref<5120xf32, #tpu.memory_space<vmem>>) dst(%dma_wait3A_231 : memref<5120xf32, #tpu.memory_space<hbm>>)
      } else {
      }
      %parallel_loop3A_199 = arith.constant 0 : i32
      %parallel_loop3A_200 = arith.constant 320 : i32
      %parallel_loop3A_201 = arith.constant 1 : i32
      scf.for %parallel_loop3A_222 = %parallel_loop3A_199 to %parallel_loop3A_200 step %parallel_loop3A_201  : i32 {
        %parallel_loop3A_223 = arith.constant 16 : i32
        %parallel_loop3A_224 = arith.muli %parallel_loop3A_222, %parallel_loop3A_223 : i32
        %parallel_loop3A_225 = arith.constant 15360 : i32
        %parallel_loop3A_226 = arith.addi %parallel_loop3A_225, %parallel_loop3A_224 : i32
        %parallel_loop3A_227 = arith.index_cast %parallel_loop3A_226 : i32 to index
        %parallel_loop3A_228 = tpu.vector_load %arg6[%parallel_loop3A_227] {strides = array<i32>} : memref<20480xi32, #tpu.memory_space<vmem>>, vector<16xi32>,
        %parallel_loop3A_229 = tpu.vector_load_idx %arg5[%parallel_loop3A_228] : memref<100000xf32, #tpu.memory_space<vmem>>[vector<16xi32>], vector<16xf32>,
        %parallel_loop3A_230 = arith.constant 1 : i32
        %parallel_loop3A_231 = arith.index_cast %parallel_loop3A_230 : i32 to index
        %parallel_loop3A_232 = arith.index_cast %parallel_loop3A_224 : i32 to index
        %parallel_loop3A_233 = tpu.vector_load %arg7[%parallel_loop3A_231, %parallel_loop3A_232] {strides = array<i32>} : memref<2x5120xf32, #tpu.memory_space<vmem>>, vector<16xf32>,
        tpu.vector_store %arg7[%parallel_loop3A_231, %parallel_loop3A_232], %parallel_loop3A_229 {strides = array<i32>} : memref<2x5120xf32, #tpu.memory_space<vmem>>, vector<16xf32>,
      } {sc.loop_unroll_factor = 32 : i64, sc.parallel_access}
      %dma_start3A_202 = arith.constant 1 : i32
      %dma_start3A_203 = arith.constant 0 : i32
      %dma_start3A_204 = tpu.memref_slice %arg7[%dma_start3A_202, %dma_start3A_203] : memref<2x5120xf32, #tpu.memory_space<vmem>> -> memref<1x5120xf32, #tpu.memory_space<vmem>>
      %dma_start3A_205 = tpu.memref_squeeze %dma_start3A_204 : memref<1x5120xf32, #tpu.memory_space<vmem>> -> memref<5120xf32, #tpu.memory_space<vmem>>
      %dma_start3A_206 = arith.constant 15360 : i32
      %dma_start3A_207 = tpu.memref_slice %arg4[%add3A_73, %dma_start3A_206] : memref<832x20480xf32, #tpu.memory_space<hbm>> -> memref<1x5120xf32, #tpu.memory_space<hbm>>
      %dma_start3A_208 = tpu.memref_squeeze %dma_start3A_207 : memref<1x5120xf32, #tpu.memory_space<hbm>> -> memref<5120xf32, #tpu.memory_space<hbm>>
      %dma_start3A_209 = arith.constant 15360 : i32
      %dma_start3A_210 = tpu.memref_slice %arg4[%add3A_73, %dma_start3A_209] : memref<832x20480xf32, #tpu.memory_space<hbm>> -> memref<1x5120xf32, #tpu.memory_space<hbm>>
      %dma_start3A_211 = tpu.memref_squeeze %dma_start3A_210 : memref<1x5120xf32, #tpu.memory_space<hbm>> -> memref<5120xf32, #tpu.memory_space<hbm>>
      %dma_start3A_212 = arith.constant 0 : i32
      %dma_start3A_213 = tpu.memref_slice %arg7[%dma_start3A_202, %dma_start3A_212] : memref<2x5120xf32, #tpu.memory_space<vmem>> -> memref<1x5120xf32, #tpu.memory_space<vmem>>
      %dma_start3A_214 = tpu.memref_squeeze %dma_start3A_213 : memref<1x5120xf32, #tpu.memory_space<vmem>> -> memref<5120xf32, #tpu.memory_space<vmem>>
      tpu.enqueue_dma source(%dma_start3A_214 : memref<5120xf32, #tpu.memory_space<vmem>>) target(%dma_start3A_211 : memref<5120xf32, #tpu.memory_space<hbm>>) target_semaphore(%arg10 : memref<!tpu.dma_semaphore, #tpu.memory_space<semaphore_mem>>)
      %add3A_215 = arith.constant 1 : i32
      %add3A_216 = arith.addi %scan3A_72, %add3A_215 : i32
      %lt3A_217 = arith.constant 26 : i32
      %lt3A_218 = arith.cmpi slt, %add3A_216, %lt3A_217 : i32
      %convert_element_type3A_219 = arith.extui %lt3A_218 : i1 to i32
      %cond3A_220 = arith.constant 0 : i32
      %cond3A_221 = arith.cmpi ne, %convert_element_type3A_219, %cond3A_220 : i32
      scf.if %cond3A_221 {
        %add3A_222 = arith.constant 1 : i32
        %add3A_223 = arith.addi %add3A_73, %add3A_222 : i32
        %jit3A_224 = arith.constant 32 : i32
        %div3A_225 = arith.divsi %add3A_223, %jit3A_224 : i32
        %sign3A_226 = arith.constant 0 : i32
        %sign3A_227 = arith.cmpi sgt, %add3A_223, %sign3A_226 : i32
        %sign3A_228 = arith.extui %sign3A_227 : i1 to i32
        %sign3A_229 = arith.constant 0 : i32
        %sign3A_230 = arith.cmpi slt, %add3A_223, %sign3A_229 : i32
        %sign3A_231 = arith.extui %sign3A_230 : i1 to i32
        %sign3A_232 = arith.subi %sign3A_228, %sign3A_231 : i32
        %sign3A_233 = arith.constant 0 : i32
        %sign3A_234 = arith.cmpi sgt, %jit3A_224, %sign3A_233 : i32
        %sign3A_235 = arith.extui %sign3A_234 : i1 to i32
        %sign3A_236 = arith.constant 0 : i32
        %sign3A_237 = arith.cmpi slt, %jit3A_224, %sign3A_236 : i32
        %sign3A_238 = arith.extui %sign3A_237 : i1 to i32
        %sign3A_239 = arith.subi %sign3A_235, %sign3A_238 : i32
        %ne3A_240 = arith.cmpi ne, %sign3A_232, %sign3A_239 : i32
        %rem3A_241 = arith.remsi %add3A_223, %jit3A_224 : i32
        %ne3A_242 = arith.constant 0 : i32
        %ne3A_243 = arith.cmpi ne, %rem3A_241, %ne3A_242 : i32
        %and3A_244 = arith.andi %ne3A_240, %ne3A_243 : i1
        %sub3A_245 = arith.constant 1 : i32
        %sub3A_246 = arith.subi %div3A_225, %sub3A_245 : i32
        %select_n3A_247 = arith.select %and3A_244, %sub3A_246, %div3A_225 : i32
        %jit3A_248 = arith.constant 32 : i32
        %eq3A_249 = arith.constant 0 : i32
        %eq3A_250 = arith.cmpi eq, %jit3A_248, %eq3A_249 : i32
        %jit3A_251 = arith.constant 1 : i32
        %select_n3A_252 = arith.select %eq3A_250, %jit3A_251, %jit3A_248 : i32
        %rem3A_253 = arith.remsi %add3A_223, %select_n3A_252 : i32
        %ne3A_254 = arith.constant 0 : i32
        %ne3A_255 = arith.cmpi ne, %rem3A_253, %ne3A_254 : i32
        %lt3A_256 = arith.constant 0 : i32
        %lt3A_257 = arith.cmpi slt, %rem3A_253, %lt3A_256 : i32
        %lt3A_258 = arith.constant 0 : i32
        %lt3A_259 = arith.cmpi slt, %select_n3A_252, %lt3A_258 : i32
        %ne3A_260 = arith.xori %lt3A_257, %lt3A_259 : i1
        %and3A_261 = arith.andi %ne3A_260, %ne3A_255 : i1
        %add3A_262 = arith.addi %rem3A_253, %select_n3A_252 : i32
        %select_n3A_263 = arith.select %and3A_261, %add3A_262, %rem3A_253 : i32
        %dma_start3A_264 = arith.constant 0 : i32
        %dma_start3A_265 = tpu.memref_slice %arg2[%select_n3A_247, %select_n3A_263, %dma_start3A_264] : memref<26x32x100000xf32, #tpu.memory_space<hbm>> -> memref<1x1x100000xf32, #tpu.memory_space<hbm>>
        %dma_start3A_266 = tpu.memref_squeeze %dma_start3A_265 : memref<1x1x100000xf32, #tpu.memory_space<hbm>> -> memref<100000xf32, #tpu.memory_space<hbm>>
        %dma_start3A_267 = arith.constant 0 : i32
        %dma_start3A_268 = tpu.memref_slice %arg2[%select_n3A_247, %select_n3A_263, %dma_start3A_267] : memref<26x32x100000xf32, #tpu.memory_space<hbm>> -> memref<1x1x100000xf32, #tpu.memory_space<hbm>>
        %dma_start3A_269 = tpu.memref_squeeze %dma_start3A_268 : memref<1x1x100000xf32, #tpu.memory_space<hbm>> -> memref<100000xf32, #tpu.memory_space<hbm>>
        tpu.enqueue_dma source(%dma_start3A_269 : memref<100000xf32, #tpu.memory_space<hbm>>) target(%arg5 : memref<100000xf32, #tpu.memory_space<vmem>>) target_semaphore(%arg8 : memref<!tpu.dma_semaphore, #tpu.memory_space<semaphore_mem>>)
      } else {
      }
    }
    %scan3A_42 = arith.constant 26 : i32
    %add3A_43 = arith.constant 26 : i32
    %add3A_44 = arith.addi %mul3A_2, %add3A_43 : i32
    %sub3A_45 = arith.constant 1 : i32
    %sub3A_46 = arith.subi %add3A_44, %sub3A_45 : i32
    %dma_wait3A = arith.constant 0 : i32
    %dma_wait3A_47 = arith.constant 0 : i32
    %dma_wait3A_48 = tpu.memref_slice %arg7[%dma_wait3A, %dma_wait3A_47] : memref<2x5120xf32, #tpu.memory_space<vmem>> -> memref<1x5120xf32, #tpu.memory_space<vmem>>
    %dma_wait3A_49 = tpu.memref_squeeze %dma_wait3A_48 : memref<1x5120xf32, #tpu.memory_space<vmem>> -> memref<5120xf32, #tpu.memory_space<vmem>>
    %dma_wait3A_50 = arith.constant 10240 : i32
    %dma_wait3A_51 = tpu.memref_slice %arg4[%sub3A_46, %dma_wait3A_50] : memref<832x20480xf32, #tpu.memory_space<hbm>> -> memref<1x5120xf32, #tpu.memory_space<hbm>>
    %dma_wait3A_52 = tpu.memref_squeeze %dma_wait3A_51 : memref<1x5120xf32, #tpu.memory_space<hbm>> -> memref<5120xf32, #tpu.memory_space<hbm>>
    %dma_wait3A_53 = arith.constant 10240 : i32
    %dma_wait3A_54 = tpu.memref_slice %arg4[%sub3A_46, %dma_wait3A_53] : memref<832x20480xf32, #tpu.memory_space<hbm>> -> memref<1x5120xf32, #tpu.memory_space<hbm>>
    %dma_wait3A_55 = tpu.memref_squeeze %dma_wait3A_54 : memref<1x5120xf32, #tpu.memory_space<hbm>> -> memref<5120xf32, #tpu.memory_space<hbm>>
    %dma_wait3A_56 = arith.constant 0 : i32
    %dma_wait3A_57 = tpu.memref_slice %arg7[%dma_wait3A, %dma_wait3A_56] : memref<2x5120xf32, #tpu.memory_space<vmem>> -> memref<1x5120xf32, #tpu.memory_space<vmem>>
    %dma_wait3A_58 = tpu.memref_squeeze %dma_wait3A_57 : memref<1x5120xf32, #tpu.memory_space<vmem>> -> memref<5120xf32, #tpu.memory_space<vmem>>
    tpu.wait_dma2 semaphore(%arg9 : memref<!tpu.dma_semaphore, #tpu.memory_space<semaphore_mem>>) src(%dma_wait3A_58 : memref<5120xf32, #tpu.memory_space<vmem>>) dst(%dma_wait3A_55 : memref<5120xf32, #tpu.memory_space<hbm>>)
    %dma_wait3A_59 = arith.constant 1 : i32
    %dma_wait3A_60 = arith.constant 0 : i32
    %dma_wait3A_61 = tpu.memref_slice %arg7[%dma_wait3A_59, %dma_wait3A_60] : memref<2x5120xf32, #tpu.memory_space<vmem>> -> memref<1x5120xf32, #tpu.memory_space<vmem>>
    %dma_wait3A_62 = tpu.memref_squeeze %dma_wait3A_61 : memref<1x5120xf32, #tpu.memory_space<vmem>> -> memref<5120xf32, #tpu.memory_space<vmem>>
    %dma_wait3A_63 = arith.constant 15360 : i32
    %dma_wait3A_64 = tpu.memref_slice %arg4[%sub3A_46, %dma_wait3A_63] : memref<832x20480xf32, #tpu.memory_space<hbm>> -> memref<1x5120xf32, #tpu.memory_space<hbm>>
    %dma_wait3A_65 = tpu.memref_squeeze %dma_wait3A_64 : memref<1x5120xf32, #tpu.memory_space<hbm>> -> memref<5120xf32, #tpu.memory_space<hbm>>
    %dma_wait3A_66 = arith.constant 15360 : i32
    %dma_wait3A_67 = tpu.memref_slice %arg4[%sub3A_46, %dma_wait3A_66] : memref<832x20480xf32, #tpu.memory_space<hbm>> -> memref<1x5120xf32, #tpu.memory_space<hbm>>
    %dma_wait3A_68 = tpu.memref_squeeze %dma_wait3A_67 : memref<1x5120xf32, #tpu.memory_space<hbm>> -> memref<5120xf32, #tpu.memory_space<hbm>>
    %dma_wait3A_69 = arith.constant 0 : i32
    %dma_wait3A_70 = tpu.memref_slice %arg7[%dma_wait3A_59, %dma_wait3A_69] : memref<2x5120xf32, #tpu.memory_space<vmem>> -> memref<1x5120xf32, #tpu.memory_space<vmem>>
    %dma_wait3A_71 = tpu.memref_squeeze %dma_wait3A_70 : memref<1x5120xf32, #tpu.memory_space<vmem>> -> memref<5120xf32, #tpu.memory_space<vmem>>
    tpu.wait_dma2 semaphore(%arg10 : memref<!tpu.dma_semaphore, #tpu.memory_space<semaphore_mem>>) src(%dma_wait3A_71 : memref<5120xf32, #tpu.memory_space<vmem>>) dst(%dma_wait3A_68 : memref<5120xf32, #tpu.memory_space<hbm>>)
    return
  }
}

module attributes {stable_mosaic.version = 14 : i64} {
  func.func @_fuse_body(%arg0: i32, %arg1: memref<832x2048xf32, #tpu.memory_space<vmem>>, %arg2: memref<13x2048xf32, #tpu.memory_space<vmem>>, %arg3: memref<832x128xf32, #tpu.memory_space<vmem>>, %arg4: memref<13x128xf32, #tpu.memory_space<vmem>>, %arg5: memref<128x128xf32, #tpu.memory_space<vmem>>, %arg6: memref<1x128xf32, #tpu.memory_space<vmem>>, %arg7: memref<1x128xf32, #tpu.memory_space<vmem>>, %arg8: memref<2048x128xf32, #tpu.memory_space<vmem>>) attributes {dimension_semantics = [#tpu.dimension_semantics<arbitrary>], iteration_bounds = array<i64: 10>, scalar_prefetch = 0 : i64, scratch_operands = 0 : i64, tpu.core_type = #tpu.core_type<tc>, window_params = [{transform_indices = @transform_0, window_bounds = array<i64: 832, 2048>}, {transform_indices = @transform_1, window_bounds = array<i64: 13, 2048>}, {pipeline_mode = #tpu.pipeline_mode<synchronous>, transform_indices = @transform_2, window_bounds = array<i64: 832, 128>}, {pipeline_mode = #tpu.pipeline_mode<synchronous>, transform_indices = @transform_3, window_bounds = array<i64: 13, 128>}, {pipeline_mode = #tpu.pipeline_mode<synchronous>, transform_indices = @transform_4, window_bounds = array<i64: 128, 128>}, {pipeline_mode = #tpu.pipeline_mode<synchronous>, transform_indices = @transform_5, window_bounds = array<i64: 1, 128>}, {pipeline_mode = #tpu.pipeline_mode<synchronous>, transform_indices = @transform_6, window_bounds = array<i64: 1, 128>}, {transform_indices = @transform_7, window_bounds = array<i64: 2048, 128>}]} {
    %get3A = arith.constant 0 : index
    %get3A_0 = arith.constant 0 : index
    %get3A_1 = vector.load %arg1[%get3A, %get3A_0] : memref<832x2048xf32, #tpu.memory_space<vmem>>, vector<832x2048xf32>
    %get3A_2 = arith.constant 0 : index
    %get3A_3 = arith.constant 0 : index
    %get3A_4 = vector.load %arg3[%get3A_2, %get3A_3] : memref<832x128xf32, #tpu.memory_space<vmem>>, vector<832x128xf32>
    %dot_general3A = arith.constant dense<0.000000e+00> : vector<2048x128xf32>
    %dot_general3A_5 = tpu.matmul %get3A_1, %get3A_4, %dot_general3A {dimension_numbers = #tpu.dot_dimension_numbers<[0], [0], [1], [1], [0, 1, 1, 1], [], []>, transpose_lhs_hint = false} : vector<832x2048xf32>, vector<832x128xf32>, vector<2048x128xf32> -> vector<2048x128xf32>
    %get3A_6 = arith.constant 0 : index
    %get3A_7 = arith.constant 0 : index
    %get3A_8 = vector.load %arg2[%get3A_6, %get3A_7] : memref<13x2048xf32, #tpu.memory_space<vmem>>, vector<13x2048xf32>
    %get3A_9 = arith.constant 0 : index
    %get3A_10 = arith.constant 0 : index
    %get3A_11 = vector.load %arg4[%get3A_9, %get3A_10] : memref<13x128xf32, #tpu.memory_space<vmem>>, vector<13x128xf32>
    %dot_general3A_12 = arith.constant dense<0.000000e+00> : vector<2048x128xf32>
    %dot_general3A_13 = tpu.matmul %get3A_8, %get3A_11, %dot_general3A_12 {dimension_numbers = #tpu.dot_dimension_numbers<[0], [0], [1], [1], [0, 1, 1, 1], [], []>, transpose_lhs_hint = false} : vector<13x2048xf32>, vector<13x128xf32>, vector<2048x128xf32> -> vector<2048x128xf32>
    %get3A_14 = arith.constant 0 : index
    %get3A_15 = arith.constant 0 : index
    %get3A_16 = vector.load %arg6[%get3A_14, %get3A_15] : memref<1x128xf32, #tpu.memory_space<vmem>>, vector<1x128xf32>
    %add3A = vector.broadcast %get3A_16 : vector<1x128xf32> to vector<2048x128xf32>
    %add3A_17 = arith.addf %dot_general3A_13, %add3A : vector<2048x128xf32>
    %get3A_18 = arith.constant 0 : index
    %get3A_19 = arith.constant 0 : index
    %get3A_20 = vector.load %arg5[%get3A_18, %get3A_19] : memref<128x128xf32, #tpu.memory_space<vmem>>, vector<128x128xf32>
    %dot_general3A_21 = arith.constant dense<0.000000e+00> : vector<2048x128xf32>
    %dot_general3A_22 = tpu.matmul %add3A_17, %get3A_20, %dot_general3A_21 {dimension_numbers = #tpu.dot_dimension_numbers<[1], [0], [0], [1], [0, 0, 1, 1], [], []>, transpose_lhs_hint = false} : vector<2048x128xf32>, vector<128x128xf32>, vector<2048x128xf32> -> vector<2048x128xf32>
    %add3A_23 = arith.addf %dot_general3A_5, %dot_general3A_22 : vector<2048x128xf32>
    %get3A_24 = arith.constant 0 : index
    %get3A_25 = arith.constant 0 : index
    %get3A_26 = vector.load %arg7[%get3A_24, %get3A_25] : memref<1x128xf32, #tpu.memory_space<vmem>>, vector<1x128xf32>
    %add3A_27 = vector.broadcast %get3A_26 : vector<1x128xf32> to vector<2048x128xf32>
    %add3A_28 = arith.addf %add3A_23, %add3A_27 : vector<2048x128xf32>
    %swap3A = arith.constant 0 : index
    %swap3A_29 = arith.constant 0 : index
    %swap3A_30 = vector.load %arg8[%swap3A, %swap3A_29] : memref<2048x128xf32, #tpu.memory_space<vmem>>, vector<2048x128xf32>
    tpu.vector_store %arg8[%swap3A, %swap3A_29], %add3A_28 {strides = array<i32>} : memref<2048x128xf32, #tpu.memory_space<vmem>>, vector<2048x128xf32>,
    return
  }
  func.func @transform_0(%arg0: i32) -> (i32, i32) {
    %c0_i32 = arith.constant 0 : i32
    %c0_i32_0 = arith.constant 0 : i32
    return %c0_i32, %arg0 : i32, i32
  }
  func.func @transform_1(%arg0: i32) -> (i32, i32) {
    %c0_i32 = arith.constant 0 : i32
    %c0_i32_0 = arith.constant 0 : i32
    return %c0_i32, %arg0 : i32, i32
  }
  func.func @transform_2(%arg0: i32) -> (i32, i32) {
    %c0_i32 = arith.constant 0 : i32
    %c0_i32_0 = arith.constant 0 : i32
    %c0_i32_1 = arith.constant 0 : i32
    return %c0_i32, %c0_i32_0 : i32, i32
  }
  func.func @transform_3(%arg0: i32) -> (i32, i32) {
    %c0_i32 = arith.constant 0 : i32
    %c0_i32_0 = arith.constant 0 : i32
    %c0_i32_1 = arith.constant 0 : i32
    return %c0_i32, %c0_i32_0 : i32, i32
  }
  func.func @transform_4(%arg0: i32) -> (i32, i32) {
    %c0_i32 = arith.constant 0 : i32
    %c0_i32_0 = arith.constant 0 : i32
    %c0_i32_1 = arith.constant 0 : i32
    return %c0_i32, %c0_i32_0 : i32, i32
  }
  func.func @transform_5(%arg0: i32) -> (i32, i32) {
    %c0_i32 = arith.constant 0 : i32
    %c0_i32_0 = arith.constant 0 : i32
    %c0_i32_1 = arith.constant 0 : i32
    return %c0_i32, %c0_i32_0 : i32, i32
  }
  func.func @transform_6(%arg0: i32) -> (i32, i32) {
    %c0_i32 = arith.constant 0 : i32
    %c0_i32_0 = arith.constant 0 : i32
    %c0_i32_1 = arith.constant 0 : i32
    return %c0_i32, %c0_i32_0 : i32, i32
  }
  func.func @transform_7(%arg0: i32) -> (i32, i32) {
    %c0_i32 = arith.constant 0 : i32
    %c0_i32_0 = arith.constant 0 : i32
    return %arg0, %c0_i32 : i32, i32
  }
}

</mosaic_0001>

<sc_bundles>
// kernel: kernel.4.cloned.1.call-start
scs
__scs_entry_jumppad:
0x0: {  	(pc) =	sbr.rel $0x88, $3  }
0x1: {  	(tag) =	ssettag $0x0;
	lr =	simm.s32 $0x1  }
0x2: {  	[smem:$0x3F9A] =	sst lr;
	_ =	strace $0xD0000000  }
0x3: {  	_ = 	snop  }
0x4: {  	_ = 	snop  }
0x5: {  	_ = 	snop  }
0x6: {  	_ = 	snop  }
0x7: {  	_ = 	snop  }
__scs_overlays_trampoline_lowered:
0x8: {  	[smem:$0x3FA9] =	sst s0  }
0x9: {  	[smem:$0x3FAA] =	sst s1  }
0xa: {  	[smem:$0x3FAB] =	sst s2  }
0xb: {  	[smem:$0x3FAC] =	sst s3  }
0xc: {  	[smem:$0x3FAD] =	sst s4  }
0xd: {  	[smem:$0x3FAE] =	sst s5  }
0xe: {  	[smem:$0x3FAF] =	sst s6  }
0xf: {  	[smem:$0x3FB0] =	sst s7  }
0x10: {  	[smem:$0x3FB1] =	sst s8  }
0x11: {  	[smem:$0x3FB2] =	sst s9;
	s0 =	simm.s32 @!p0 $0x0  }
0x12: {  	s1 =	sld [smem:$0x3F98];
	s0 =	simm.s32 @p0 $0x1  }
0x13: {  	[smem:$0x3FB3] =	sst s0;
	s0 =	simm.s32 @!p1 $0x0  }
0x14: {  	s2 =	sld [smem:$0x3F97];
	s0 =	simm.s32 @p1 $0x1  }
0x15: {  	[smem:$0x3FB4] =	sst s0;
	s0 =	simm.s32 @!p2 $0x0  }
0x16: {  	s3 =	sld [smem:$0x3FDB];
	s0 =	simm.s32 @p2 $0x1  }
0x17: {  	s4 =	simm.s32 $0x1BF5;
	[smem:$0x3FB6] =	sst s0  }
0x18: {  	s0 =	sld [smem:$0x3F99];
	_ =	swait.ge [sflag:s4], $0x0  }
0x19: {  	s7 =	sld [smem:$0x3F9A]  }
0x1a: {  	s8 =	sadd.s32 $0xFFFFE003, lr  }
0x1b: {  	s9 =	sadd.s32 $0xFFFFFEF7, lr;
	s5 =	simm.s32 $0xFFFFFFFF;
	p2 =	slt.u32 s8, $0xFFFFF086  }
0x1c: {  	p1 =	slt.u32 s9, $0xF7A;
	s5 =	simm.s32 @!p2 $0x0  }
0x1d: {  	s5 =	simm.s32 @p1 $0x1;
	p0 =	seq.s32 s7, s2  }
0x1e: {  	s7 =	smul.u32 @!p0 $0xF7A, s2;
	p2 =	seq.s32 @!p0 s5, $0x0  }
0x1f: {  	s9 =	smul.u32 $0xF7A, s1;
	s8 =	simm.s32 @!p0 $0x1BF5;
	p2 =	por !p2, p0  }
0x20: {  	[sflag:s8] =	ssyncset.s32 @!p0 $0xFFFFF086;
	s6 =	sadd.s32 @!p0 s3, s7;
	s7 =	simm.s32 @!p0 $0x108  }
0x21: {  	s3 =	sadd.s32 s3, s9;
	s6 =	sadd.s32 @!p0 $0x88, s6;
	s7 =	simm.s32 @p2 $0x1082  }
0x22: {  	[simem:s7], [sflag:s8] =	dma.local @!p0 [hbm:s6], $0xF7A  }
0x23: {  	s9 =	sor.u32 $0xD0000000, s2;
	s6 =	simm.s32 $0x108;
	_ =	swait.ge @!p0 [sflag:s8], $0x0  }
0x24: {  	s3 =	sadd.s32 $0x88, s3;
	s6 =	simm.s32 @!p1 $0x1082;
	[sflag:s4] =	ssyncset.s32 $0xFFFFF086  }
0x25: {  	[simem:s6], [sflag:s4] =	dma.local [hbm:s3], $0xF7A  }
0x26: {  	[smem:$0x3F9A] =	sst s1;
	(tag) =	ssettag s2;
	_ =	strace s9  }
0x27: {  	s1 =	sld [smem:$0x3FAA]  }
0x28: {  	s2 =	sld [smem:$0x3FAB]  }
0x29: {  	s4 =	sld [smem:$0x3FAD]  }
0x2a: {  	p0 =	seq.s32 s5, $0x0;
	s5 =	sld [smem:$0x3FAE]  }
0x2b: {  	s6 =	sld [smem:$0x3FAF]  }
0x2c: {  	s7 =	sld [smem:$0x3FB0]  }
0x2d: {  	s3 =	simm.s32 $0x108;
	s8 =	sld [smem:$0x3FB1]  }
0x2e: {  	s3 =	simm.s32 @!p0 $0x1082;
	s9 =	sld [smem:$0x3FB2]  }
0x2f: {  	lr =	sadd.s32 s0, s3;
	s0 =	sld [smem:$0x3FA9]  }
0x30: {  	s3 =	sld [smem:$0x3FAC]  }
0x31: {  	[smem:$0x3FB5] =	sst s10  }
0x32: {  	s10 =	sld [smem:$0x3FB3];
	_ =	sdelay $0x3  }
0x33: {  	p0 =	seq.s32 s10, $0x1;
	s10 =	sld [smem:$0x3FB5];
	_ =	sdelay $0x3  }
0x34: {  	[smem:$0x3FB5] =	sst s10  }
0x35: {  	s10 =	sld [smem:$0x3FB4];
	_ =	sdelay $0x3  }
0x36: {  	p1 =	seq.s32 s10, $0x1;
	s10 =	sld [smem:$0x3FB5];
	_ =	sdelay $0x3  }
0x37: {  	[smem:$0x3FB5] =	sst s10  }
0x38: {  	s10 =	sld [smem:$0x3FB6]  }
0x39: {  	_ = 	snop;
	(pc) =	sbr.ind lr, $3  }
0x3a: {  	_ = 	snop  }
0x3b: {  	_ = 	snop  }
0x3c: {  	p2 =	seq.s32 s10, $0x1;
	s10 =	sld [smem:$0x3FB5]  }
0x3d: {  	_ =	shalt  }
0x3e: {  	_ =	shalt  }
0x3f: {  	_ =	shalt  }
0x40: {  	_ =	shalt  }
0x41: {  	_ =	shalt  }
0x42: {  	_ =	shalt  }
0x43: {  	_ =	shalt  }
0x44: {  	_ =	shalt  }
0x45: {  	_ =	shalt  }
0x46: {  	_ =	shalt  }
0x47: {  	_ =	shalt  }
0x48: {  	_ =	shalt  }
0x49: {  	_ =	shalt  }
0x4a: {  	_ =	shalt  }
0x4b: {  	_ =	shalt  }
0x4c: {  	_ =	shalt  }
0x4d: {  	_ =	shalt  }
0x4e: {  	_ =	shalt  }
0x4f: {  	_ =	shalt  }
0x50: {  	_ =	shalt  }
0x51: {  	_ =	shalt  }
0x52: {  	_ =	shalt  }
0x53: {  	_ =	shalt  }
0x54: {  	_ =	shalt  }
0x55: {  	_ =	shalt  }
0x56: {  	_ =	shalt  }
0x57: {  	_ =	shalt  }
0x58: {  	_ =	shalt  }
0x59: {  	_ =	shalt  }
0x5a: {  	_ =	shalt  }
0x5b: {  	_ =	shalt  }
0x5c: {  	_ =	shalt  }
0x5d: {  	_ =	shalt  }
0x5e: {  	_ =	shalt  }
0x5f: {  	_ =	shalt  }
0x60: {  	_ =	shalt  }
0x61: {  	_ =	shalt  }
0x62: {  	_ =	shalt  }
0x63: {  	_ =	shalt  }
0x64: {  	_ =	shalt  }
0x65: {  	_ =	shalt  }
0x66: {  	_ =	shalt  }
0x67: {  	_ =	shalt  }
0x68: {  	_ =	shalt  }
0x69: {  	_ =	shalt  }
0x6a: {  	_ =	shalt  }
0x6b: {  	_ =	shalt  }
0x6c: {  	_ =	shalt  }
0x6d: {  	_ =	shalt  }
0x6e: {  	_ =	shalt  }
0x6f: {  	_ =	shalt  }
0x70: {  	_ =	shalt  }
0x71: {  	_ =	shalt  }
0x72: {  	_ =	shalt  }
0x73: {  	_ =	shalt  }
0x74: {  	_ =	shalt  }
0x75: {  	_ =	shalt  }
0x76: {  	_ =	shalt  }
0x77: {  	_ =	shalt  }
0x78: {  	_ =	shalt  }
0x79: {  	_ =	shalt  }
0x7a: {  	_ =	shalt  }
0x7b: {  	_ =	shalt  }
0x7c: {  	_ =	shalt  }
0x7d: {  	_ =	shalt  }
0x7e: {  	_ =	shalt  }
0x7f: {  	_ =	shalt  }
0x80: {  	_ =	shalt  }
0x81: {  	_ =	shalt  }
0x82: {  	_ =	shalt  }
0x83: {  	_ =	shalt  }
0x84: {  	_ =	shalt  }
0x85: {  	_ =	shalt  }
0x86: {  	_ =	shalt  }
0x87: {  	_ =	shalt  }
.Lfunc_end0:
.L_simem_size_0:
called_computation_lowered:
.L_overlay_start_0:
0x88: {  	s2 =	sld [smem:$0x3FD9]  }
0x89: {  	s3 =	sld [smem:$0x3FFE];
	_ =	sdelay $0x1  }
0x8a: {  	s1 =	srdreg.scid  }
0x8b: {  	s0 =	sand.u32 $0x1, s1  }
0x8c: {  	s17 =	sshll.u32 s0, $0xA;
	s2 =	sadd.s32 s3, s2  }
0x8d: {  	s2 =	sadd.s32 s2, s17  }
0x8e: {  	[smem:$0x3FC1] =	sst s2  }
0x8f: {  	_ = 	snop  }
0x90: {  	s2 =	sld [smem:$0x3FC7]  }
0x91: {  	s18 =	sld [smem:$0x3FD0];
	(tm) =	ssettm $0x1  }
0x92: {  	s4 =	sld [smem:$0x3FFB];
	_ =	sdelay $0x3  }
0x93: {  	_ =	strace s4  }
0x94: {  	s4 =	sld [smem:$0x3FFC];
	_ =	sdelay $0x3  }
0x95: {  	_ =	strace s4  }
0x96: {  	s4 =	sld [smem:$0x3FFD];
	_ =	sdelay $0x3  }
0x97: {  	_ =	strace s4  }
0x98: {  	_ =	strace $0x8FFFFFFF  }
0x99: {  	s19 =	sld [smem:$0x3FDB];
	_ =	sdelay $0x1  }
0x9a: {  	s5 =	simm.s32 $_scs_section_size  }
0x9b: {  	s6 =	simm.s32 $_size__tile_overlayer_lowered;
	s7 =	simm.s32 $_tile_overlayer_lowered  }
0x9c: {  	s22 =	simm.s32 $0x1BFF;
	s21 =	sshll.u32 s7, $0x1;
	s4 =	sadd.s32 s5, s19  }
0x9d: {  	s8 =	simm.s32 $0x0;
	s20 =	sshll.u32 s6, $0x1;
	s6 =	sadd.s32 s21, s4  }
0x9e: {  	[timem:s8], [sflag:s22] =	dma.local [hbm:s6], s20  }
0x9f: {  	_ =	swait.ge [sflag:s22], s20  }
0xa0: {  	s5 =	ssub.s32 $0x0, s20;
	[sflag:s22] =	ssyncset.done $0x0  }
0xa1: {  	[sflag:s22] =	ssyncadd.s32 s5;
	_ =	sdelay $0x1  }
0xa2: {  	s23 =	simm.s32 $0x1B8B  }
0xa3: {  	_ =	swait.ge [sflag:s23], $0x1  }
0xa4: {  	[sflag:s23] =	ssyncset.done $0x0  }
0xa5: {  	s25 =	simm.s32 $0x1B8E;
	s24 =	sld [smem:$0x3FFE];
	[sflag:s23] =	ssyncadd.s32 $0xFFFFFFFF  }
0xa6: {  	s26 =	simm.s32 $execute0_lowered;
	[smem:$0x3FD2] =	sst s25  }
0xa7: {  	s6 =	sshll.u32 s26, $0x1;
	_ =	strace $0x80000046;
	[dreg:$0x1] =	wrdreg $0xFFFFFFFF  }
0xa8: {  	s28 =	simm.s32 $_size_execute0_lowered;
	s4 =	sadd.s32 s4, s6;
	[dreg:$0x0] =	wrdreg $0x0  }
0xa9: {  	s6 =	sshll.u32 s28, $0x1;
	[dreg:$0x2] =	wrdreg s4  }
0xaa: {  	[dreg:$0x3] =	wrdreg s6  }
0xab: {  	[dreg:$0x4] =	wrdreg $0xC0  }
0xac: {  	_ =	task [dreg:s8], $0x5FFFF  }
0xad: {  	[dreg:$0x1] =	wrdreg $0xFFFFFFFF  }
0xae: {  	[dreg:$0x0] =	wrdreg $0x60  }
0xaf: {  	[dreg:$0x2] =	wrdreg s2  }
0xb0: {  	[dreg:$0x3] =	wrdreg s18  }
0xb1: {  	[dreg:$0x4] =	wrdreg s24  }
0xb2: {  	[dreg:$0x5] =	wrdreg $0x9  }
0xb3: {  	_ =	task.clear_ibuf [dreg:s8], $0x6FFFF;
	_ =	strace $0x90000046  }
0xb4: {  	s29 =	simm.s32 $0x9;
	_ =	strace $0x80000048  }
0xb5: {  	_ =	swait.ge [sflag:s29], $0x1  }
0xb6: {  	[sflag:s29] =	ssyncadd.s32 $0xFFFFFFFF  }
0xb7: {  	_ =	strace $0x90000048  }
0xb8: {  	_ =	sfence  }
0xb9: {  	s30 =	sld [smem:$0x0];
	_ =	sdelay $0x2  }
0xba: {  	s31 =	sshll.u32 s1, $0xD;
	s1 =	sshrl.u32 s1, $0x2  }
0xbb: {  	s3 =	sand.u32 $0x4000, s31;
	s1 =	sadd.s32 s1, s30  }
0xbc: {  	s0 =	sor.u32 s3, s0;
	s1 =	sshll.u32 s1, $0x11  }
0xbd: {  	s0 =	sor.u32 s1, s0  }
0xbe: {  	s0 =	sadd.s32 $0x8F2B, s0  }
0xbf: {  	[sflag:s0] =	ssyncadd.remote.s32 $0x1  }
0xc0: {  	_ =	sfence.sel $0xFFFF  }
0xc1: {  	[dreg:$0x0] =	wrdreg $0xFFFFFFFF;
	(pc) =	sbr.abs _section_cstart, $3  }
0xc2: {  	[dreg:$0x1] =	wrdreg $0xFFFFFFFF  }
0xc3: {  	_ =	task.clear_ibuf [dreg:s8], $0x2FFFF;
	_ =	strace $0x9FFFFFFF  }
0xc4: {  	(tm) =	ssettm $0x7FFFFFFF  }
0xc5: {  	_ =	shalt  }
tec
execute0_lowered:
.L_overlay_start_1:
0x0: {  	(tag) =	ssettag $0x1  }
0x1: {  	s1 =	srdreg.scid;
	s0 =	stileid.u32  }
0x2: {  	s2 =	rddreg [dreg:$0x0];
	s6 =	sand.u32 $0x1, s1;
	s24 =	sshll.u32 s0, $0x1  }
0x3: {  	s4 =	rddreg [dreg:$0x1];
	s1 =	sor.u32 s6, s24  }
0x4: {  	s8 =	rddreg [dreg:$0x2];
	s11 =	simm.s32 $0x18700;
	s1 =	smul.u32 $0x1A, s1  }
0x5: {  	s12 =	simm.s32 $0x4;
	s13 =	simm.s32 $0x1;
	s14 =	simm.s32 $0x2  }
0x6: {  	s15 =	simm.s32 $0x3;
	s3 =	sshrl.u32 s1, $0x5;
	s5 =	sand.u32 $0x18, s1  }
0x7: {  	s28 =	ssub.s32 $0x2, s6;
	s7 =	smul.u32 $0x30E000, s3;
	s25 =	sshrl.u32 s5, $0x3  }
0x8: {  	s16 =	simm.s32 $0x0;
	s30 =	sshrl.u32 s28, $0x1;
	s9 =	smul.u32 $0xC3800, s25  }
0x9: {  	s6 =	sadd.s32 $0xE00, s8;
	s31 =	ssub.s32 s28, s30;
	s10 =	sshll.u32 s1, $0x7  }
0xa: {  	s8 =	smax.u32 s31, $0x1;
	s26 =	sand.u32 $0x300, s10;
	s7 =	sadd.s32 s7, s9  }
0xb: {  	s3 =	rddreg [dreg:$0x3];
	s5 =	simm.s32 $0x0;
	s29 =	sor.u32 s26, s7  }
0xc: {  	s10 =	simm.s32 $0x400;
	[smem:$0x7FF] =	sst s5;
	s9 =	sshrl.u32 s29, $0x3  }
0xd: {  	_ =	strace $0x80000047;
	s7 =	sadd.s32 s2, s9;
	s9 =	simm.s32 $0x80  }
.LBB2_1:
0xe: {  	[tilespmem:s5], [sflag:$0x1] =	stream.strided.gather [hbm4b:s7+s9], $0x18700, s10, s9, $0x38;
	[tilespmem:$0x1FF00] =	vst v63  }
0xf: {  	s17 =	simm.s32 $0x0  }
.LBB2_2:
0x10: {  	s18 =	sadd.s32 s1, s17  }
0x11: {  	p0 =	seq.s32 s17, $0x0;
	s19 =	sand.u32 $0x1F, s18  }
0x12: {  	p1 =	seq.s32 @!p0 s19, $0x0  }
0x13: {  	p1 =	por p0, p1  }
.Ltmp0:
0x14: {  	_ = 	snop;
	(pc) =	sbr.rel @p1 .LBB2_4-.Ltmp0, $1  }
0x15: {  	_ =	sdelay $0x3  }
.Ltmp1:
0x16: {  	(pc) =	sbr.rel .LBB2_5-.Ltmp1, $4  }
0x17: {  	_ = 	snop  }
0x18: {  	_ =	swait.ge [sflag:s13], $0x18700  }
0x19: {  	[sflag:s13] =	ssyncset.done $0x0  }
0x1a: {  	[sflag:s13] =	ssyncadd.s32 $0xFFFE7900  }
.LBB2_4:
0x1b: {  	s19 =	sshrl.u32 s18, $0x8  }
0x1c: {  	s20 =	sshll.u32 s18, $0x2;
	s19 =	smul.u32 $0x28000, s19  }
0x1d: {  	s20 =	sand.u32 $0x380, s20  }
0x1e: {  	s19 =	sor.u32 s20, s19  }
0x1f: {  	s19 =	sshrl.u32 s19, $0x3  }
0x20: {  	s19 =	sadd.s32 s4, s19  }
0x21: {  	[tilespmem:s11], [sflag:$0x4] =	stream.strided.gather [hbm4b:s19+s9], $0x5000, s10, s9, $0x38;
	[tilespmem:$0x1FF00] =	vst v63  }
0x22: {  	_ =	swait.ge [sflag:s12], $0x5000  }
.Ltmp2:
0x23: {  	[sflag:s12] =	ssyncset.done $0x0;
	(pc) =	sbr.rel @p0 .LBB2_6-.Ltmp2, $4  }
0x24: {  	[sflag:s12] =	ssyncadd.s32 $0xFFFFB000  }
0x25: {  	_ =	swait.ge [sflag:s13], $0x18700  }
0x26: {  	[sflag:s13] =	ssyncset.done $0x0  }
0x27: {  	[sflag:s13] =	ssyncadd.s32 $0xFFFE7900  }
.LBB2_5:
0x28: {  	_ =	swait.ge [sflag:s14], $0x1400  }
0x29: {  	[sflag:s14] =	ssyncset.done $0x0  }
0x2a: {  	[sflag:s14] =	ssyncadd.s32 $0xFFFFEC00  }
.LBB2_6:
0x2b: {  	s19 =	simm.s32 $0x18800  }
0x2c: {  	v0 =	vld [tilespmem:s19+$0xF0]  }
0x2d: {  	v1 =	vld [tilespmem:s19+$0xFFFFFF10]  }
0x2e: {  	v2 =	vld [tilespmem:s19+$0xFFFFFF20]  }
0x2f: {  	v3 =	vld [tilespmem:s19+$0xFFFFFF30]  }
0x30: {  	v4 =	vld [tilespmem:s19+$0xFFFFFF40]  }
0x31: {  	v5 =	vld [tilespmem:s19+$0xFFFFFF50]  }
0x32: {  	v6 =	vld [tilespmem:s19+$0xFFFFFF60]  }
0x33: {  	v7 =	vld [tilespmem:s19+$0xFFFFFF70]  }
0x34: {  	v8 =	vld [tilespmem:s19+$0xFFFFFF80]  }
0x35: {  	v9 =	vld [tilespmem:s19+$0xFFFFFF90]  }
0x36: {  	v10 =	vld [tilespmem:s19+$0xFFFFFFA0]  }
0x37: {  	v11 =	vld [tilespmem:s19+$0xFFFFFFB0]  }
0x38: {  	v12 =	vld [tilespmem:s19+$0xFFFFFFC0]  }
0x39: {  	v13 =	vld [tilespmem:s19+$0xFFFFFFD0]  }
0x3a: {  	v14 =	vld [tilespmem:s19+$0xFFFFFFE0]  }
0x3b: {  	v15 =	vld [tilespmem:s19+$0xFFFFFFF0]  }
0x3c: {  	v16 =	vld [tilespmem:s19+$0x0]  }
0x3d: {  	v17 =	vld [tilespmem:s19+$0x10]  }
0x3e: {  	v18 =	vld [tilespmem:s19+$0x20]  }
0x3f: {  	v19 =	vld [tilespmem:s19+$0x30]  }
0x40: {  	v20 =	vld [tilespmem:s19+$0x40]  }
0x41: {  	v21 =	vld [tilespmem:s19+$0x50]  }
0x42: {  	v22 =	vld [tilespmem:s19+$0x60]  }
0x43: {  	v23 =	vld [tilespmem:s19+$0x70]  }
0x44: {  	v24 =	vld [tilespmem:s19+$0x80]  }
0x45: {  	v25 =	vld [tilespmem:s19+$0x90]  }
0x46: {  	v26 =	vld [tilespmem:s19+$0xA0]  }
0x47: {  	v27 =	vld [tilespmem:s19+$0xB0]  }
0x48: {  	v28 =	vld [tilespmem:s19+$0xC0]  }
0x49: {  	v29 =	vld [tilespmem:s19+$0xD0]  }
0x4a: {  	v30 =	vld [tilespmem:s19+$0xE0]  }
0x4b: {  	v31 =	vld [tilespmem:s19+$0xFFFFFF00]  }
0x4c: {  	v0 =	vld.idx.msk [tilespmem:v0+s5+$0x0], $0xffff  }
0x4d: {  	v1 =	vld.idx.msk [tilespmem:v1+s5+$0x0], $0xffff  }
0x4e: {  	v2 =	vld.idx.msk [tilespmem:v2+s5+$0x0], $0xffff  }
0x4f: {  	v3 =	vld.idx.msk [tilespmem:v3+s5+$0x0], $0xffff  }
0x50: {  	v4 =	vld.idx.msk [tilespmem:v4+s5+$0x0], $0xffff  }
0x51: {  	s21 =	simm.s32 $0x1D900;
	v5 =	vld.idx.msk [tilespmem:v5+s5+$0x0], $0xffff  }
0x52: {  	[tilespmem:s21+$0x170] =	vst v0;
	v0 =	vld.idx.msk [tilespmem:v6+s5+$0x0], $0xffff  }
0x53: {  	[tilespmem:s21+$0xFFFFFE10] =	vst v1;
	v1 =	vld.idx.msk [tilespmem:v7+s5+$0x0], $0xffff  }
0x54: {  	v6 =	vld.idx.msk [tilespmem:v31+s5+$0x0], $0xffff;
	[tilespmem:s21+$0xFFFFFE20] =	vst v2  }
0x55: {  	[tilespmem:s21+$0xFFFFFE30] =	vst v3;
	v2 =	vld.idx.msk [tilespmem:v8+s5+$0x0], $0xffff  }
0x56: {  	[tilespmem:s21+$0xFFFFFE40] =	vst v4;
	v3 =	vld.idx.msk [tilespmem:v9+s5+$0x0], $0xffff  }
0x57: {  	[tilespmem:s21+$0xFFFFFE50] =	vst v5;
	v4 =	vld.idx.msk [tilespmem:v10+s5+$0x0], $0xffff  }
0x58: {  	v5 =	vld.idx.msk [tilespmem:v13+s5+$0x0], $0xffff;
	[tilespmem:s21+$0xFFFFFE60] =	vst v0  }
0x59: {  	v7 =	vld.idx.msk [tilespmem:v24+s5+$0x0], $0xffff;
	[tilespmem:s21+$0xFFFFFE70] =	vst v1  }
0x5a: {  	v0 =	vld.idx.msk [tilespmem:v11+s5+$0x0], $0xffff;
	[tilespmem:s21+$0xFFFFFE00] =	vst v6  }
0x5b: {  	v1 =	vld.idx.msk [tilespmem:v12+s5+$0x0], $0xffff;
	[tilespmem:s21+$0xFFFFFF00] =	vst v2  }
0x5c: {  	v2 =	vld.idx.msk [tilespmem:v14+s5+$0x0], $0xffff;
	[tilespmem:s21+$0xFFFFFF10] =	vst v3  }
0x5d: {  	v3 =	vld.idx.msk [tilespmem:v15+s5+$0x0], $0xffff;
	[tilespmem:s21+$0xFFFFFF20] =	vst v4  }
0x5e: {  	v4 =	vld.idx.msk [tilespmem:v16+s5+$0x0], $0xffff;
	[tilespmem:s21+$0xFFFFFF50] =	vst v5  }
0x5f: {  	v5 =	vld.idx.msk [tilespmem:v19+s5+$0x0], $0xffff;
	[tilespmem:s21+$0x100] =	vst v7  }
0x60: {  	v6 =	vld.idx.msk [tilespmem:v23+s5+$0x0], $0xffff;
	[tilespmem:s21+$0xFFFFFF30] =	vst v0  }
0x61: {  	v0 =	vld.idx.msk [tilespmem:v17+s5+$0x0], $0xffff;
	[tilespmem:s21+$0xFFFFFF40] =	vst v1  }
0x62: {  	v1 =	vld.idx.msk [tilespmem:v18+s5+$0x0], $0xffff;
	[tilespmem:s21+$0xFFFFFF60] =	vst v2  }
0x63: {  	v2 =	vld.idx.msk [tilespmem:v20+s5+$0x0], $0xffff;
	[tilespmem:s21+$0xFFFFFF70] =	vst v3  }
0x64: {  	v3 =	vld.idx.msk [tilespmem:v21+s5+$0x0], $0xffff;
	[tilespmem:s21+$0x0] =	vst v4  }
0x65: {  	v4 =	vld.idx.msk [tilespmem:v22+s5+$0x0], $0xffff;
	[tilespmem:s21+$0x30] =	vst v5  }
0x66: {  	v5 =	vld.idx.msk [tilespmem:v25+s5+$0x0], $0xffff;
	[tilespmem:s21+$0x70] =	vst v6  }
0x67: {  	[tilespmem:s21+$0x10] =	vst v0;
	v0 =	vld.idx.msk [tilespmem:v26+s5+$0x0], $0xffff  }
0x68: {  	[tilespmem:s21+$0x20] =	vst v1;
	v1 =	vld.idx.msk [tilespmem:v27+s5+$0x0], $0xffff  }
0x69: {  	[tilespmem:s21+$0x40] =	vst v2;
	v2 =	vld.idx.msk [tilespmem:v28+s5+$0x0], $0xffff  }
0x6a: {  	[tilespmem:s21+$0x50] =	vst v3;
	v3 =	vld.idx.msk [tilespmem:v29+s5+$0x0], $0xffff  }
0x6b: {  	s20 =	simm.s32 $0x18A00;
	s19 =	simm.s32 $0x0;
	[tilespmem:s21+$0x60] =	vst v4;
	v4 =	vld.idx.msk [tilespmem:v30+s5+$0x0], $0xffff  }
.LBB2_7:
0x6c: {  	v6 =	vld [tilespmem:s20+$0xF0];
	s19 =	sadd.s32 $0x20, s19;
	[tilespmem:s21+$0x110] =	vst v5  }
0x6d: {  	v5 =	vld [tilespmem:s20+$0xFFFFFF10];
	p1 =	slt.u32 s19, $0x120;
	[tilespmem:s21+$0x120] =	vst v0  }
0x6e: {  	v0 =	vld [tilespmem:s20+$0xFFFFFF20];
	[tilespmem:s21+$0x130] =	vst v1  }
0x6f: {  	v1 =	vld [tilespmem:s20+$0xFFFFFF30];
	[tilespmem:s21+$0x140] =	vst v2  }
0x70: {  	v2 =	vld [tilespmem:s20+$0xFFFFFF40];
	[tilespmem:s21+$0x150] =	vst v3  }
0x71: {  	v3 =	vld [tilespmem:s20+$0xFFFFFF50];
	[tilespmem:s21+$0x160] =	vst v4  }
0x72: {  	v4 =	vld [tilespmem:s20+$0xFFFFFF60]  }
0x73: {  	v7 =	vld [tilespmem:s20+$0xFFFFFF70]  }
0x74: {  	v6 =	vld.idx.msk [tilespmem:v6+s5+$0x0], $0xffff  }
0x75: {  	v8 =	vld [tilespmem:s20+$0xFFFFFF80]  }
0x76: {  	v9 =	vld [tilespmem:s20+$0xFFFFFF90]  }
0x77: {  	v10 =	vld [tilespmem:s20+$0xFFFFFFA0]  }
0x78: {  	v11 =	vld [tilespmem:s20+$0xFFFFFFB0]  }
0x79: {  	s21 =	sadd.s32 $0x400, s21;
	v12 =	vld [tilespmem:s20+$0xFFFFFFC0]  }
0x7a: {  	v13 =	vld [tilespmem:s20+$0xFFFFFFD0];
	[tilespmem:s21+$0x170] =	vst v6  }
0x7b: {  	v6 =	vld [tilespmem:s20+$0xFFFFFFE0]  }
0x7c: {  	v14 =	vld [tilespmem:s20+$0xFFFFFFF0]  }
0x7d: {  	v15 =	vld [tilespmem:s20+$0x0]  }
0x7e: {  	v16 =	vld [tilespmem:s20+$0x10]  }
0x7f: {  	v17 =	vld [tilespmem:s20+$0x20]  }
0x80: {  	v18 =	vld [tilespmem:s20+$0x30]  }
0x81: {  	v19 =	vld [tilespmem:s20+$0x40]  }
0x82: {  	v20 =	vld [tilespmem:s20+$0x50]  }
0x83: {  	v21 =	vld [tilespmem:s20+$0x60]  }
0x84: {  	v22 =	vld [tilespmem:s20+$0x70]  }
0x85: {  	v23 =	vld [tilespmem:s20+$0x80]  }
0x86: {  	v24 =	vld [tilespmem:s20+$0x90]  }
0x87: {  	v25 =	vld [tilespmem:s20+$0xA0]  }
0x88: {  	v26 =	vld [tilespmem:s20+$0xB0]  }
0x89: {  	v27 =	vld [tilespmem:s20+$0xC0]  }
0x8a: {  	v28 =	vld [tilespmem:s20+$0xD0]  }
0x8b: {  	v29 =	vld [tilespmem:s20+$0xE0]  }
0x8c: {  	v30 =	vld [tilespmem:s20+$0xFFFFFF00]  }
0x8d: {  	v5 =	vld.idx.msk [tilespmem:v5+s5+$0x0], $0xffff  }
0x8e: {  	v0 =	vld.idx.msk [tilespmem:v0+s5+$0x0], $0xffff  }
0x8f: {  	v1 =	vld.idx.msk [tilespmem:v1+s5+$0x0], $0xffff  }
0x90: {  	v2 =	vld.idx.msk [tilespmem:v2+s5+$0x0], $0xffff  }
0x91: {  	v3 =	vld.idx.msk [tilespmem:v3+s5+$0x0], $0xffff  }
0x92: {  	v4 =	vld.idx.msk [tilespmem:v4+s5+$0x0], $0xffff  }
0x93: {  	[tilespmem:s21+$0xFFFFFE10] =	vst v5;
	v5 =	vld.idx.msk [tilespmem:v7+s5+$0x0], $0xffff  }
0x94: {  	v7 =	vld.idx.msk [tilespmem:v30+s5+$0x0], $0xffff;
	[tilespmem:s21+$0xFFFFFE20] =	vst v0  }
0x95: {  	[tilespmem:s21+$0xFFFFFE30] =	vst v1;
	v0 =	vld.idx.msk [tilespmem:v8+s5+$0x0], $0xffff  }
0x96: {  	[tilespmem:s21+$0xFFFFFE40] =	vst v2;
	v1 =	vld.idx.msk [tilespmem:v9+s5+$0x0], $0xffff  }
0x97: {  	[tilespmem:s21+$0xFFFFFE50] =	vst v3;
	v2 =	vld.idx.msk [tilespmem:v10+s5+$0x0], $0xffff  }
0x98: {  	[tilespmem:s21+$0xFFFFFE60] =	vst v4;
	v3 =	vld.idx.msk [tilespmem:v11+s5+$0x0], $0xffff  }
0x99: {  	[tilespmem:s21+$0xFFFFFE70] =	vst v5;
	v4 =	vld.idx.msk [tilespmem:v12+s5+$0x0], $0xffff  }
0x9a: {  	[tilespmem:s21+$0xFFFFFE00] =	vst v7;
	v5 =	vld.idx.msk [tilespmem:v13+s5+$0x0], $0xffff  }
0x9b: {  	[tilespmem:s21+$0xFFFFFF00] =	vst v0;
	v0 =	vld.idx.msk [tilespmem:v6+s5+$0x0], $0xffff  }
0x9c: {  	[tilespmem:s21+$0xFFFFFF10] =	vst v1;
	v1 =	vld.idx.msk [tilespmem:v14+s5+$0x0], $0xffff  }
0x9d: {  	[tilespmem:s21+$0xFFFFFF20] =	vst v2;
	v2 =	vld.idx.msk [tilespmem:v15+s5+$0x0], $0xffff  }
0x9e: {  	[tilespmem:s21+$0xFFFFFF30] =	vst v3;
	v3 =	vld.idx.msk [tilespmem:v16+s5+$0x0], $0xffff  }
0x9f: {  	[tilespmem:s21+$0xFFFFFF40] =	vst v4;
	v4 =	vld.idx.msk [tilespmem:v17+s5+$0x0], $0xffff  }
0xa0: {  	[tilespmem:s21+$0xFFFFFF50] =	vst v5;
	v5 =	vld.idx.msk [tilespmem:v18+s5+$0x0], $0xffff  }
0xa1: {  	[tilespmem:s21+$0xFFFFFF60] =	vst v0;
	v0 =	vld.idx.msk [tilespmem:v19+s5+$0x0], $0xffff  }
0xa2: {  	[tilespmem:s21+$0xFFFFFF70] =	vst v1;
	v1 =	vld.idx.msk [tilespmem:v20+s5+$0x0], $0xffff  }
0xa3: {  	[tilespmem:s21+$0x0] =	vst v2;
	v2 =	vld.idx.msk [tilespmem:v21+s5+$0x0], $0xffff  }
0xa4: {  	[tilespmem:s21+$0x10] =	vst v3;
	v3 =	vld.idx.msk [tilespmem:v22+s5+$0x0], $0xffff  }
0xa5: {  	[tilespmem:s21+$0x20] =	vst v4;
	v4 =	vld.idx.msk [tilespmem:v23+s5+$0x0], $0xffff  }
0xa6: {  	[tilespmem:s21+$0x30] =	vst v5;
	v5 =	vld.idx.msk [tilespmem:v24+s5+$0x0], $0xffff  }
.Ltmp3:
0xa7: {  	[tilespmem:s21+$0x40] =	vst v0;
	v0 =	vld.idx.msk [tilespmem:v25+s5+$0x0], $0xffff;
	(pc) =	sbr.rel @p1 .LBB2_7-.Ltmp3, $4  }
0xa8: {  	[tilespmem:s21+$0x50] =	vst v1;
	v1 =	vld.idx.msk [tilespmem:v26+s5+$0x0], $0xffff  }
0xa9: {  	[tilespmem:s21+$0x60] =	vst v2;
	v2 =	vld.idx.msk [tilespmem:v27+s5+$0x0], $0xffff  }
0xaa: {  	[tilespmem:s21+$0x70] =	vst v3;
	v3 =	vld.idx.msk [tilespmem:v28+s5+$0x0], $0xffff  }
0xab: {  	s20 =	sadd.s32 $0x200, s20;
	[tilespmem:s21+$0x100] =	vst v4;
	v4 =	vld.idx.msk [tilespmem:v29+s5+$0x0], $0xffff  }
0xac: {  	s19 =	sshrl.u32 s18, $0x3  }
0xad: {  	[tilespmem:s21+$0x110] =	vst v5;
	s20 =	sshll.u32 s18, $0x7;
	s19 =	smul.u32 $0x28000, s19  }
0xae: {  	[tilespmem:s21+$0x120] =	vst v0;
	s20 =	sand.u32 $0x380, s20  }
0xaf: {  	[tilespmem:s21+$0x130] =	vst v1;
	s22 =	sor.u32 s20, s19  }
0xb0: {  	[tilespmem:s21+$0x140] =	vst v2;
	s22 =	sshrl.u32 s22, $0x3  }
0xb1: {  	s23 =	simm.s32 $0x1D700;
	[tilespmem:s21+$0x150] =	vst v3;
	s22 =	sadd.s32 s6, s22  }
0xb2: {  	s24 =	simm.s32 $0x1D800;
	[tilespmem:s21+$0x160] =	vst v4;
	s21 =	simm.s32 $0x80;
	s25 =	sadd.s32 $0x0, s22  }
.LBB2_9:
0xb3: {  	[hbm4b:s25+s5] =	stream.linear.scatter [tilespmem:s23], [sflag:$0x2], $0x80, $0x38;
	[tilespmem:$0x1FF00] =	vst v63  }
0xb4: {  	s25 =	smov.u32 s21;
	s23 =	smov.u32 s24;
	p1 =	sne.s32 s21, $0x1380  }
.Ltmp4:
0xb5: {  	s21 =	sadd.s32 $0x80, s21;
	(pc) =	sbr.rel @p1 .LBB2_9-.Ltmp4, $2  }
0xb6: {  	_ =	sdelay $0x2  }
0xb7: {  	s24 =	sadd.s32 $0x100, s24;
	s25 =	sadd.s32 s25, s22  }
0xb8: {  	[hbm4b:s25+s5] =	stream.linear.scatter [tilespmem:s23], [sflag:$0x2], $0x80, $0x38;
	[tilespmem:$0x1FF00] =	vst v63  }
0xb9: {  	s21 =	simm.s32 @!p0 $0x3  }
0xba: {  	_ =	swait.ge @!p0 [sflag:s21], $0x1400  }
0xbb: {  	[sflag:s21] =	ssyncset.done @!p0 $0x0  }
0xbc: {  	s31 =	simm.s32 $0x19CF0;
	[sflag:s21] =	ssyncadd.s32 @!p0 $0xFFFFEC00  }
0xbd: {  	v0 =	vld [tilespmem:s31+$0x0]  }
0xbe: {  	v1 =	vld [tilespmem:s31+$0xFFFFFE20]  }
0xbf: {  	v2 =	vld [tilespmem:s31+$0xFFFFFE30]  }
0xc0: {  	v3 =	vld [tilespmem:s31+$0xFFFFFE40]  }
0xc1: {  	v4 =	vld [tilespmem:s31+$0xFFFFFE50]  }
0xc2: {  	v5 =	vld [tilespmem:s31+$0xFFFFFE60]  }
0xc3: {  	v6 =	vld [tilespmem:s31+$0xFFFFFE70]  }
0xc4: {  	v7 =	vld [tilespmem:s31+$0xFFFFFE80]  }
0xc5: {  	v8 =	vld [tilespmem:s31+$0xFFFFFE90]  }
0xc6: {  	v9 =	vld [tilespmem:s31+$0xFFFFFEA0]  }
0xc7: {  	v10 =	vld [tilespmem:s31+$0xFFFFFEB0]  }
0xc8: {  	v11 =	vld [tilespmem:s31+$0xFFFFFEC0]  }
0xc9: {  	v12 =	vld [tilespmem:s31+$0xFFFFFED0]  }
0xca: {  	v13 =	vld [tilespmem:s31+$0xFFFFFEE0]  }
0xcb: {  	v14 =	vld [tilespmem:s31+$0xFFFFFEF0]  }
0xcc: {  	v15 =	vld [tilespmem:s31+$0xFFFFFF00]  }
0xcd: {  	v16 =	vld [tilespmem:s31+$0xFFFFFF10]  }
0xce: {  	v17 =	vld [tilespmem:s31+$0xFFFFFF20]  }
0xcf: {  	v18 =	vld [tilespmem:s31+$0xFFFFFF30]  }
0xd0: {  	v19 =	vld [tilespmem:s31+$0xFFFFFF40]  }
0xd1: {  	v20 =	vld [tilespmem:s31+$0xFFFFFF50]  }
0xd2: {  	v21 =	vld [tilespmem:s31+$0xFFFFFF60]  }
0xd3: {  	v22 =	vld [tilespmem:s31+$0xFFFFFF70]  }
0xd4: {  	v23 =	vld [tilespmem:s31+$0xFFFFFF80]  }
0xd5: {  	v24 =	vld [tilespmem:s31+$0xFFFFFF90]  }
0xd6: {  	v25 =	vld [tilespmem:s31+$0xFFFFFFA0]  }
0xd7: {  	v26 =	vld [tilespmem:s31+$0xFFFFFFB0]  }
0xd8: {  	v27 =	vld [tilespmem:s31+$0xFFFFFFC0]  }
0xd9: {  	v28 =	vld [tilespmem:s31+$0xFFFFFFD0]  }
0xda: {  	v29 =	vld [tilespmem:s31+$0xFFFFFFE0]  }
0xdb: {  	v30 =	vld [tilespmem:s31+$0xFFFFFFF0]  }
0xdc: {  	v31 =	vld [tilespmem:s31+$0xFFFFFE10]  }
0xdd: {  	v0 =	vld.idx.msk [tilespmem:v0+s5+$0x0], $0xffff  }
0xde: {  	v1 =	vld.idx.msk [tilespmem:v1+s5+$0x0], $0xffff  }
0xdf: {  	v2 =	vld.idx.msk [tilespmem:v2+s5+$0x0], $0xffff  }
0xe0: {  	v3 =	vld.idx.msk [tilespmem:v3+s5+$0x0], $0xffff  }
0xe1: {  	v4 =	vld.idx.msk [tilespmem:v4+s5+$0x0], $0xffff  }
0xe2: {  	s21 =	simm.s32 $0x1D980;
	v5 =	vld.idx.msk [tilespmem:v5+s5+$0x0], $0xffff  }
0xe3: {  	[tilespmem:s21+$0x170] =	vst v0;
	v0 =	vld.idx.msk [tilespmem:v6+s5+$0x0], $0xffff  }
0xe4: {  	[tilespmem:s21+$0xFFFFFE10] =	vst v1;
	v1 =	vld.idx.msk [tilespmem:v7+s5+$0x0], $0xffff  }
0xe5: {  	v6 =	vld.idx.msk [tilespmem:v31+s5+$0x0], $0xffff;
	[tilespmem:s21+$0xFFFFFE20] =	vst v2  }
0xe6: {  	[tilespmem:s21+$0xFFFFFE30] =	vst v3;
	v2 =	vld.idx.msk [tilespmem:v8+s5+$0x0], $0xffff  }
0xe7: {  	[tilespmem:s21+$0xFFFFFE40] =	vst v4;
	v3 =	vld.idx.msk [tilespmem:v9+s5+$0x0], $0xffff  }
0xe8: {  	[tilespmem:s21+$0xFFFFFE50] =	vst v5;
	v4 =	vld.idx.msk [tilespmem:v10+s5+$0x0], $0xffff  }
0xe9: {  	v5 =	vld.idx.msk [tilespmem:v13+s5+$0x0], $0xffff;
	[tilespmem:s21+$0xFFFFFE60] =	vst v0  }
0xea: {  	v7 =	vld.idx.msk [tilespmem:v24+s5+$0x0], $0xffff;
	[tilespmem:s21+$0xFFFFFE70] =	vst v1  }
0xeb: {  	v0 =	vld.idx.msk [tilespmem:v11+s5+$0x0], $0xffff;
	[tilespmem:s21+$0xFFFFFE00] =	vst v6  }
0xec: {  	v1 =	vld.idx.msk [tilespmem:v12+s5+$0x0], $0xffff;
	[tilespmem:s21+$0xFFFFFF00] =	vst v2  }
0xed: {  	v2 =	vld.idx.msk [tilespmem:v14+s5+$0x0], $0xffff;
	[tilespmem:s21+$0xFFFFFF10] =	vst v3  }
0xee: {  	v3 =	vld.idx.msk [tilespmem:v15+s5+$0x0], $0xffff;
	[tilespmem:s21+$0xFFFFFF20] =	vst v4  }
0xef: {  	v4 =	vld.idx.msk [tilespmem:v16+s5+$0x0], $0xffff;
	[tilespmem:s21+$0xFFFFFF50] =	vst v5  }
0xf0: {  	v5 =	vld.idx.msk [tilespmem:v19+s5+$0x0], $0xffff;
	[tilespmem:s21+$0x100] =	vst v7  }
0xf1: {  	v6 =	vld.idx.msk [tilespmem:v23+s5+$0x0], $0xffff;
	[tilespmem:s21+$0xFFFFFF30] =	vst v0  }
0xf2: {  	v0 =	vld.idx.msk [tilespmem:v17+s5+$0x0], $0xffff;
	[tilespmem:s21+$0xFFFFFF40] =	vst v1  }
0xf3: {  	v1 =	vld.idx.msk [tilespmem:v18+s5+$0x0], $0xffff;
	[tilespmem:s21+$0xFFFFFF60] =	vst v2  }
0xf4: {  	v2 =	vld.idx.msk [tilespmem:v20+s5+$0x0], $0xffff;
	[tilespmem:s21+$0xFFFFFF70] =	vst v3  }
0xf5: {  	v3 =	vld.idx.msk [tilespmem:v21+s5+$0x0], $0xffff;
	[tilespmem:s21+$0x0] =	vst v4  }
0xf6: {  	v4 =	vld.idx.msk [tilespmem:v22+s5+$0x0], $0xffff;
	[tilespmem:s21+$0x30] =	vst v5  }
0xf7: {  	[tilespmem:s21+$0x70] =	vst v6;
	v5 =	vld.idx.msk [tilespmem:v30+s5+$0x0], $0xffff  }
0xf8: {  	[tilespmem:s21+$0x10] =	vst v0;
	v0 =	vld.idx.msk [tilespmem:v25+s5+$0x0], $0xffff  }
0xf9: {  	[tilespmem:s21+$0x20] =	vst v1;
	v1 =	vld.idx.msk [tilespmem:v26+s5+$0x0], $0xffff  }
0xfa: {  	[tilespmem:s21+$0x40] =	vst v2;
	v2 =	vld.idx.msk [tilespmem:v27+s5+$0x0], $0xffff  }
0xfb: {  	[tilespmem:s21+$0x50] =	vst v3;
	v3 =	vld.idx.msk [tilespmem:v28+s5+$0x0], $0xffff  }
0xfc: {  	s22 =	simm.s32 $0x0;
	s23 =	simm.s32 $0x19EF0;
	[tilespmem:s21+$0x60] =	vst v4;
	v4 =	vld.idx.msk [tilespmem:v29+s5+$0x0], $0xffff  }
.LBB2_11:
0xfd: {  	v6 =	vld [tilespmem:s23+$0x0];
	s22 =	sadd.s32 $0x20, s22;
	[tilespmem:s21+$0x110] =	vst v0  }
0xfe: {  	v0 =	vld [tilespmem:s23+$0xFFFFFE20];
	p0 =	slt.u32 s22, $0x120;
	[tilespmem:s21+$0x120] =	vst v1  }
0xff: {  	v1 =	vld [tilespmem:s23+$0xFFFFFE30];
	[tilespmem:s21+$0x130] =	vst v2  }
0x100: {  	v2 =	vld [tilespmem:s23+$0xFFFFFE40];
	[tilespmem:s21+$0x140] =	vst v3  }
0x101: {  	v3 =	vld [tilespmem:s23+$0xFFFFFE50];
	[tilespmem:s21+$0x150] =	vst v4  }
0x102: {  	v4 =	vld [tilespmem:s23+$0xFFFFFE60];
	[tilespmem:s21+$0x160] =	vst v5  }
0x103: {  	v5 =	vld [tilespmem:s23+$0xFFFFFE70]  }
0x104: {  	v7 =	vld [tilespmem:s23+$0xFFFFFE80]  }
0x105: {  	v6 =	vld.idx.msk [tilespmem:v6+s5+$0x0], $0xffff  }
0x106: {  	v8 =	vld [tilespmem:s23+$0xFFFFFE90]  }
0x107: {  	v9 =	vld [tilespmem:s23+$0xFFFFFEA0]  }
0x108: {  	v10 =	vld [tilespmem:s23+$0xFFFFFEB0]  }
0x109: {  	v11 =	vld [tilespmem:s23+$0xFFFFFEC0]  }
0x10a: {  	s21 =	sadd.s32 $0x400, s21;
	v12 =	vld [tilespmem:s23+$0xFFFFFED0]  }
0x10b: {  	v13 =	vld [tilespmem:s23+$0xFFFFFEE0];
	[tilespmem:s21+$0x170] =	vst v6  }
0x10c: {  	v6 =	vld [tilespmem:s23+$0xFFFFFEF0]  }
0x10d: {  	v14 =	vld [tilespmem:s23+$0xFFFFFF00]  }
0x10e: {  	v15 =	vld [tilespmem:s23+$0xFFFFFF10]  }
0x10f: {  	v16 =	vld [tilespmem:s23+$0xFFFFFF20]  }
0x110: {  	v17 =	vld [tilespmem:s23+$0xFFFFFF30]  }
0x111: {  	v18 =	vld [tilespmem:s23+$0xFFFFFF40]  }
0x112: {  	v19 =	vld [tilespmem:s23+$0xFFFFFF50]  }
0x113: {  	v20 =	vld [tilespmem:s23+$0xFFFFFF60]  }
0x114: {  	v21 =	vld [tilespmem:s23+$0xFFFFFF70]  }
0x115: {  	v22 =	vld [tilespmem:s23+$0xFFFFFF80]  }
0x116: {  	v23 =	vld [tilespmem:s23+$0xFFFFFF90]  }
0x117: {  	v24 =	vld [tilespmem:s23+$0xFFFFFFA0]  }
0x118: {  	v25 =	vld [tilespmem:s23+$0xFFFFFFB0]  }
0x119: {  	v26 =	vld [tilespmem:s23+$0xFFFFFFC0]  }
0x11a: {  	v27 =	vld [tilespmem:s23+$0xFFFFFFD0]  }
0x11b: {  	v28 =	vld [tilespmem:s23+$0xFFFFFFE0]  }
0x11c: {  	v29 =	vld [tilespmem:s23+$0xFFFFFFF0]  }
0x11d: {  	v30 =	vld [tilespmem:s23+$0xFFFFFE10]  }
0x11e: {  	v0 =	vld.idx.msk [tilespmem:v0+s5+$0x0], $0xffff  }
0x11f: {  	v1 =	vld.idx.msk [tilespmem:v1+s5+$0x0], $0xffff  }
0x120: {  	v2 =	vld.idx.msk [tilespmem:v2+s5+$0x0], $0xffff  }
0x121: {  	v3 =	vld.idx.msk [tilespmem:v3+s5+$0x0], $0xffff  }
0x122: {  	v4 =	vld.idx.msk [tilespmem:v4+s5+$0x0], $0xffff  }
0x123: {  	v5 =	vld.idx.msk [tilespmem:v5+s5+$0x0], $0xffff  }
0x124: {  	[tilespmem:s21+$0xFFFFFE10] =	vst v0;
	v0 =	vld.idx.msk [tilespmem:v7+s5+$0x0], $0xffff  }
0x125: {  	v7 =	vld.idx.msk [tilespmem:v30+s5+$0x0], $0xffff;
	[tilespmem:s21+$0xFFFFFE20] =	vst v1  }
0x126: {  	[tilespmem:s21+$0xFFFFFE30] =	vst v2;
	v1 =	vld.idx.msk [tilespmem:v8+s5+$0x0], $0xffff  }
0x127: {  	[tilespmem:s21+$0xFFFFFE40] =	vst v3;
	v2 =	vld.idx.msk [tilespmem:v9+s5+$0x0], $0xffff  }
0x128: {  	[tilespmem:s21+$0xFFFFFE50] =	vst v4;
	v3 =	vld.idx.msk [tilespmem:v10+s5+$0x0], $0xffff  }
0x129: {  	[tilespmem:s21+$0xFFFFFE60] =	vst v5;
	v4 =	vld.idx.msk [tilespmem:v11+s5+$0x0], $0xffff  }
0x12a: {  	[tilespmem:s21+$0xFFFFFE70] =	vst v0;
	v0 =	vld.idx.msk [tilespmem:v12+s5+$0x0], $0xffff  }
0x12b: {  	[tilespmem:s21+$0xFFFFFE00] =	vst v7;
	v5 =	vld.idx.msk [tilespmem:v13+s5+$0x0], $0xffff  }
0x12c: {  	[tilespmem:s21+$0xFFFFFF00] =	vst v1;
	v1 =	vld.idx.msk [tilespmem:v6+s5+$0x0], $0xffff  }
0x12d: {  	[tilespmem:s21+$0xFFFFFF10] =	vst v2;
	v2 =	vld.idx.msk [tilespmem:v14+s5+$0x0], $0xffff  }
0x12e: {  	[tilespmem:s21+$0xFFFFFF20] =	vst v3;
	v3 =	vld.idx.msk [tilespmem:v15+s5+$0x0], $0xffff  }
0x12f: {  	[tilespmem:s21+$0xFFFFFF30] =	vst v4;
	v4 =	vld.idx.msk [tilespmem:v16+s5+$0x0], $0xffff  }
0x130: {  	[tilespmem:s21+$0xFFFFFF40] =	vst v0;
	v0 =	vld.idx.msk [tilespmem:v17+s5+$0x0], $0xffff  }
0x131: {  	[tilespmem:s21+$0xFFFFFF50] =	vst v5;
	v5 =	vld.idx.msk [tilespmem:v18+s5+$0x0], $0xffff  }
0x132: {  	[tilespmem:s21+$0xFFFFFF60] =	vst v1;
	v1 =	vld.idx.msk [tilespmem:v19+s5+$0x0], $0xffff  }
0x133: {  	[tilespmem:s21+$0xFFFFFF70] =	vst v2;
	v2 =	vld.idx.msk [tilespmem:v20+s5+$0x0], $0xffff  }
0x134: {  	[tilespmem:s21+$0x0] =	vst v3;
	v3 =	vld.idx.msk [tilespmem:v21+s5+$0x0], $0xffff  }
0x135: {  	[tilespmem:s21+$0x10] =	vst v4;
	v4 =	vld.idx.msk [tilespmem:v22+s5+$0x0], $0xffff  }
0x136: {  	[tilespmem:s21+$0x20] =	vst v0;
	v6 =	vld.idx.msk [tilespmem:v23+s5+$0x0], $0xffff  }
0x137: {  	[tilespmem:s21+$0x30] =	vst v5;
	v0 =	vld.idx.msk [tilespmem:v24+s5+$0x0], $0xffff  }
.Ltmp5:
0x138: {  	[tilespmem:s21+$0x40] =	vst v1;
	v1 =	vld.idx.msk [tilespmem:v25+s5+$0x0], $0xffff;
	(pc) =	sbr.rel @p0 .LBB2_11-.Ltmp5, $4  }
0x139: {  	[tilespmem:s21+$0x50] =	vst v2;
	v2 =	vld.idx.msk [tilespmem:v26+s5+$0x0], $0xffff  }
0x13a: {  	[tilespmem:s21+$0x60] =	vst v3;
	v3 =	vld.idx.msk [tilespmem:v27+s5+$0x0], $0xffff  }
0x13b: {  	[tilespmem:s21+$0x70] =	vst v4;
	v4 =	vld.idx.msk [tilespmem:v28+s5+$0x0], $0xffff  }
0x13c: {  	s23 =	sadd.s32 $0x200, s23;
	[tilespmem:s21+$0x100] =	vst v6;
	v5 =	vld.idx.msk [tilespmem:v29+s5+$0x0], $0xffff  }
0x13d: {  	[tilespmem:s21+$0x110] =	vst v0  }
0x13e: {  	[tilespmem:s21+$0x120] =	vst v1;
	s19 =	sadd.s32 s20, s19  }
0x13f: {  	[tilespmem:s21+$0x130] =	vst v2;
	s20 =	sadd.s32 $0xA000, s19  }
0x140: {  	[tilespmem:s21+$0x140] =	vst v3;
	s20 =	sshrl.u32 s20, $0x3  }
0x141: {  	s22 =	simm.s32 $0x1D780;
	[tilespmem:s21+$0x150] =	vst v4;
	s20 =	sadd.s32 s6, s20  }
0x142: {  	s23 =	simm.s32 $0x1D880;
	[tilespmem:s21+$0x160] =	vst v5;
	s21 =	simm.s32 $0x80;
	s24 =	sadd.s32 $0x0, s20  }
.LBB2_13:
0x143: {  	[hbm4b:s24+s5] =	stream.linear.scatter [tilespmem:s22], [sflag:$0x3], $0x80, $0x38;
	[tilespmem:$0x1FF00] =	vst v63  }
0x144: {  	s24 =	smov.u32 s21;
	s22 =	smov.u32 s23;
	p0 =	sne.s32 s21, $0x1380  }
.Ltmp6:
0x145: {  	s21 =	sadd.s32 $0x80, s21;
	(pc) =	sbr.rel @p0 .LBB2_13-.Ltmp6, $2  }
0x146: {  	_ =	sdelay $0x2  }
0x147: {  	s23 =	sadd.s32 $0x100, s23;
	s24 =	sadd.s32 s24, s20  }
0x148: {  	[hbm4b:s24+s5] =	stream.linear.scatter [tilespmem:s22], [sflag:$0x3], $0x80, $0x38;
	[tilespmem:$0x1FF00] =	vst v63  }
0x149: {  	_ =	swait.ge [sflag:s14], $0x1400  }
0x14a: {  	[sflag:s14] =	ssyncset.done $0x0  }
0x14b: {  	s31 =	simm.s32 $0x1B0F0;
	[sflag:s14] =	ssyncadd.s32 $0xFFFFEC00  }
0x14c: {  	v0 =	vld [tilespmem:s31+$0x0]  }
0x14d: {  	v1 =	vld [tilespmem:s31+$0xFFFFFE20]  }
0x14e: {  	v2 =	vld [tilespmem:s31+$0xFFFFFE30]  }
0x14f: {  	v3 =	vld [tilespmem:s31+$0xFFFFFE40]  }
0x150: {  	v4 =	vld [tilespmem:s31+$0xFFFFFE50]  }
0x151: {  	v5 =	vld [tilespmem:s31+$0xFFFFFE60]  }
0x152: {  	v6 =	vld [tilespmem:s31+$0xFFFFFE70]  }
0x153: {  	v7 =	vld [tilespmem:s31+$0xFFFFFE80]  }
0x154: {  	v8 =	vld [tilespmem:s31+$0xFFFFFE90]  }
0x155: {  	v9 =	vld [tilespmem:s31+$0xFFFFFEA0]  }
0x156: {  	v10 =	vld [tilespmem:s31+$0xFFFFFEB0]  }
0x157: {  	v11 =	vld [tilespmem:s31+$0xFFFFFEC0]  }
0x158: {  	v12 =	vld [tilespmem:s31+$0xFFFFFED0]  }
0x159: {  	v13 =	vld [tilespmem:s31+$0xFFFFFEE0]  }
0x15a: {  	v14 =	vld [tilespmem:s31+$0xFFFFFEF0]  }
0x15b: {  	v15 =	vld [tilespmem:s31+$0xFFFFFF00]  }
0x15c: {  	v16 =	vld [tilespmem:s31+$0xFFFFFF10]  }
0x15d: {  	v17 =	vld [tilespmem:s31+$0xFFFFFF20]  }
0x15e: {  	v18 =	vld [tilespmem:s31+$0xFFFFFF30]  }
0x15f: {  	v19 =	vld [tilespmem:s31+$0xFFFFFF40]  }
0x160: {  	v20 =	vld [tilespmem:s31+$0xFFFFFF50]  }
0x161: {  	v21 =	vld [tilespmem:s31+$0xFFFFFF60]  }
0x162: {  	v22 =	vld [tilespmem:s31+$0xFFFFFF70]  }
0x163: {  	v23 =	vld [tilespmem:s31+$0xFFFFFF80]  }
0x164: {  	v24 =	vld [tilespmem:s31+$0xFFFFFF90]  }
0x165: {  	v25 =	vld [tilespmem:s31+$0xFFFFFFA0]  }
0x166: {  	v26 =	vld [tilespmem:s31+$0xFFFFFFB0]  }
0x167: {  	v27 =	vld [tilespmem:s31+$0xFFFFFFC0]  }
0x168: {  	v28 =	vld [tilespmem:s31+$0xFFFFFFD0]  }
0x169: {  	v29 =	vld [tilespmem:s31+$0xFFFFFFE0]  }
0x16a: {  	v30 =	vld [tilespmem:s31+$0xFFFFFFF0]  }
0x16b: {  	v31 =	vld [tilespmem:s31+$0xFFFFFE10]  }
0x16c: {  	v0 =	vld.idx.msk [tilespmem:v0+s5+$0x0], $0xffff  }
0x16d: {  	v1 =	vld.idx.msk [tilespmem:v1+s5+$0x0], $0xffff  }
0x16e: {  	v2 =	vld.idx.msk [tilespmem:v2+s5+$0x0], $0xffff  }
0x16f: {  	v3 =	vld.idx.msk [tilespmem:v3+s5+$0x0], $0xffff  }
0x170: {  	v4 =	vld.idx.msk [tilespmem:v4+s5+$0x0], $0xffff  }
0x171: {  	s21 =	simm.s32 $0x1D900;
	v5 =	vld.idx.msk [tilespmem:v5+s5+$0x0], $0xffff  }
0x172: {  	[tilespmem:s21+$0x170] =	vst v0;
	v0 =	vld.idx.msk [tilespmem:v6+s5+$0x0], $0xffff  }
0x173: {  	[tilespmem:s21+$0xFFFFFE10] =	vst v1;
	v1 =	vld.idx.msk [tilespmem:v7+s5+$0x0], $0xffff  }
0x174: {  	v6 =	vld.idx.msk [tilespmem:v31+s5+$0x0], $0xffff;
	[tilespmem:s21+$0xFFFFFE20] =	vst v2  }
0x175: {  	[tilespmem:s21+$0xFFFFFE30] =	vst v3;
	v2 =	vld.idx.msk [tilespmem:v8+s5+$0x0], $0xffff  }
0x176: {  	[tilespmem:s21+$0xFFFFFE40] =	vst v4;
	v3 =	vld.idx.msk [tilespmem:v9+s5+$0x0], $0xffff  }
0x177: {  	[tilespmem:s21+$0xFFFFFE50] =	vst v5;
	v4 =	vld.idx.msk [tilespmem:v10+s5+$0x0], $0xffff  }
0x178: {  	v5 =	vld.idx.msk [tilespmem:v13+s5+$0x0], $0xffff;
	[tilespmem:s21+$0xFFFFFE60] =	vst v0  }
0x179: {  	v7 =	vld.idx.msk [tilespmem:v24+s5+$0x0], $0xffff;
	[tilespmem:s21+$0xFFFFFE70] =	vst v1  }
0x17a: {  	v0 =	vld.idx.msk [tilespmem:v11+s5+$0x0], $0xffff;
	[tilespmem:s21+$0xFFFFFE00] =	vst v6  }
0x17b: {  	v1 =	vld.idx.msk [tilespmem:v12+s5+$0x0], $0xffff;
	[tilespmem:s21+$0xFFFFFF00] =	vst v2  }
0x17c: {  	v2 =	vld.idx.msk [tilespmem:v14+s5+$0x0], $0xffff;
	[tilespmem:s21+$0xFFFFFF10] =	vst v3  }
0x17d: {  	v3 =	vld.idx.msk [tilespmem:v15+s5+$0x0], $0xffff;
	[tilespmem:s21+$0xFFFFFF20] =	vst v4  }
0x17e: {  	v4 =	vld.idx.msk [tilespmem:v16+s5+$0x0], $0xffff;
	[tilespmem:s21+$0xFFFFFF50] =	vst v5  }
0x17f: {  	v5 =	vld.idx.msk [tilespmem:v19+s5+$0x0], $0xffff;
	[tilespmem:s21+$0x100] =	vst v7  }
0x180: {  	v6 =	vld.idx.msk [tilespmem:v23+s5+$0x0], $0xffff;
	[tilespmem:s21+$0xFFFFFF30] =	vst v0  }
0x181: {  	v0 =	vld.idx.msk [tilespmem:v17+s5+$0x0], $0xffff;
	[tilespmem:s21+$0xFFFFFF40] =	vst v1  }
0x182: {  	v1 =	vld.idx.msk [tilespmem:v18+s5+$0x0], $0xffff;
	[tilespmem:s21+$0xFFFFFF60] =	vst v2  }
0x183: {  	v2 =	vld.idx.msk [tilespmem:v20+s5+$0x0], $0xffff;
	[tilespmem:s21+$0xFFFFFF70] =	vst v3  }
0x184: {  	v3 =	vld.idx.msk [tilespmem:v21+s5+$0x0], $0xffff;
	[tilespmem:s21+$0x0] =	vst v4  }
0x185: {  	v4 =	vld.idx.msk [tilespmem:v22+s5+$0x0], $0xffff;
	[tilespmem:s21+$0x30] =	vst v5  }
0x186: {  	[tilespmem:s21+$0x70] =	vst v6;
	v5 =	vld.idx.msk [tilespmem:v30+s5+$0x0], $0xffff  }
0x187: {  	[tilespmem:s21+$0x10] =	vst v0;
	v0 =	vld.idx.msk [tilespmem:v25+s5+$0x0], $0xffff  }
0x188: {  	[tilespmem:s21+$0x20] =	vst v1;
	v1 =	vld.idx.msk [tilespmem:v26+s5+$0x0], $0xffff  }
0x189: {  	s20 =	sadd.s32 $0x14000, s19;
	[tilespmem:s21+$0x40] =	vst v2;
	v2 =	vld.idx.msk [tilespmem:v27+s5+$0x0], $0xffff  }
0x18a: {  	s20 =	sshrl.u32 s20, $0x3;
	[tilespmem:s21+$0x50] =	vst v3;
	v3 =	vld.idx.msk [tilespmem:v28+s5+$0x0], $0xffff  }
0x18b: {  	s22 =	simm.s32 $0x0;
	s23 =	simm.s32 $0x1B2F0;
	s20 =	sadd.s32 s6, s20;
	[tilespmem:s21+$0x60] =	vst v4;
	v4 =	vld.idx.msk [tilespmem:v29+s5+$0x0], $0xffff  }
.LBB2_15:
0x18c: {  	v6 =	vld [tilespmem:s23+$0x0];
	s22 =	sadd.s32 $0x20, s22;
	[tilespmem:s21+$0x110] =	vst v0  }
0x18d: {  	v0 =	vld [tilespmem:s23+$0xFFFFFE20];
	p0 =	slt.u32 s22, $0x120;
	[tilespmem:s21+$0x120] =	vst v1  }
0x18e: {  	v1 =	vld [tilespmem:s23+$0xFFFFFE30];
	[tilespmem:s21+$0x130] =	vst v2  }
0x18f: {  	v2 =	vld [tilespmem:s23+$0xFFFFFE40];
	[tilespmem:s21+$0x140] =	vst v3  }
0x190: {  	v3 =	vld [tilespmem:s23+$0xFFFFFE50];
	[tilespmem:s21+$0x150] =	vst v4  }
0x191: {  	v4 =	vld [tilespmem:s23+$0xFFFFFE60];
	[tilespmem:s21+$0x160] =	vst v5  }
0x192: {  	v5 =	vld [tilespmem:s23+$0xFFFFFE70]  }
0x193: {  	v7 =	vld [tilespmem:s23+$0xFFFFFE80]  }
0x194: {  	v6 =	vld.idx.msk [tilespmem:v6+s5+$0x0], $0xffff  }
0x195: {  	v8 =	vld [tilespmem:s23+$0xFFFFFE90]  }
0x196: {  	v9 =	vld [tilespmem:s23+$0xFFFFFEA0]  }
0x197: {  	v10 =	vld [tilespmem:s23+$0xFFFFFEB0]  }
0x198: {  	v11 =	vld [tilespmem:s23+$0xFFFFFEC0]  }
0x199: {  	s21 =	sadd.s32 $0x400, s21;
	v12 =	vld [tilespmem:s23+$0xFFFFFED0]  }
0x19a: {  	v13 =	vld [tilespmem:s23+$0xFFFFFEE0];
	[tilespmem:s21+$0x170] =	vst v6  }
0x19b: {  	v6 =	vld [tilespmem:s23+$0xFFFFFEF0]  }
0x19c: {  	v14 =	vld [tilespmem:s23+$0xFFFFFF00]  }
0x19d: {  	v15 =	vld [tilespmem:s23+$0xFFFFFF10]  }
0x19e: {  	v16 =	vld [tilespmem:s23+$0xFFFFFF20]  }
0x19f: {  	v17 =	vld [tilespmem:s23+$0xFFFFFF30]  }
0x1a0: {  	v18 =	vld [tilespmem:s23+$0xFFFFFF40]  }
0x1a1: {  	v19 =	vld [tilespmem:s23+$0xFFFFFF50]  }
0x1a2: {  	v20 =	vld [tilespmem:s23+$0xFFFFFF60]  }
0x1a3: {  	v21 =	vld [tilespmem:s23+$0xFFFFFF70]  }
0x1a4: {  	v22 =	vld [tilespmem:s23+$0xFFFFFF80]  }
0x1a5: {  	v23 =	vld [tilespmem:s23+$0xFFFFFF90]  }
0x1a6: {  	v24 =	vld [tilespmem:s23+$0xFFFFFFA0]  }
0x1a7: {  	v25 =	vld [tilespmem:s23+$0xFFFFFFB0]  }
0x1a8: {  	v26 =	vld [tilespmem:s23+$0xFFFFFFC0]  }
0x1a9: {  	v27 =	vld [tilespmem:s23+$0xFFFFFFD0]  }
0x1aa: {  	v28 =	vld [tilespmem:s23+$0xFFFFFFE0]  }
0x1ab: {  	v29 =	vld [tilespmem:s23+$0xFFFFFFF0]  }
0x1ac: {  	v30 =	vld [tilespmem:s23+$0xFFFFFE10]  }
0x1ad: {  	v0 =	vld.idx.msk [tilespmem:v0+s5+$0x0], $0xffff  }
0x1ae: {  	v1 =	vld.idx.msk [tilespmem:v1+s5+$0x0], $0xffff  }
0x1af: {  	v2 =	vld.idx.msk [tilespmem:v2+s5+$0x0], $0xffff  }
0x1b0: {  	v3 =	vld.idx.msk [tilespmem:v3+s5+$0x0], $0xffff  }
0x1b1: {  	v4 =	vld.idx.msk [tilespmem:v4+s5+$0x0], $0xffff  }
0x1b2: {  	v5 =	vld.idx.msk [tilespmem:v5+s5+$0x0], $0xffff  }
0x1b3: {  	[tilespmem:s21+$0xFFFFFE10] =	vst v0;
	v0 =	vld.idx.msk [tilespmem:v7+s5+$0x0], $0xffff  }
0x1b4: {  	v7 =	vld.idx.msk [tilespmem:v30+s5+$0x0], $0xffff;
	[tilespmem:s21+$0xFFFFFE20] =	vst v1  }
0x1b5: {  	[tilespmem:s21+$0xFFFFFE30] =	vst v2;
	v1 =	vld.idx.msk [tilespmem:v8+s5+$0x0], $0xffff  }
0x1b6: {  	[tilespmem:s21+$0xFFFFFE40] =	vst v3;
	v2 =	vld.idx.msk [tilespmem:v9+s5+$0x0], $0xffff  }
0x1b7: {  	[tilespmem:s21+$0xFFFFFE50] =	vst v4;
	v3 =	vld.idx.msk [tilespmem:v10+s5+$0x0], $0xffff  }
0x1b8: {  	[tilespmem:s21+$0xFFFFFE60] =	vst v5;
	v4 =	vld.idx.msk [tilespmem:v11+s5+$0x0], $0xffff  }
0x1b9: {  	[tilespmem:s21+$0xFFFFFE70] =	vst v0;
	v0 =	vld.idx.msk [tilespmem:v12+s5+$0x0], $0xffff  }
0x1ba: {  	[tilespmem:s21+$0xFFFFFE00] =	vst v7;
	v5 =	vld.idx.msk [tilespmem:v13+s5+$0x0], $0xffff  }
0x1bb: {  	[tilespmem:s21+$0xFFFFFF00] =	vst v1;
	v1 =	vld.idx.msk [tilespmem:v6+s5+$0x0], $0xffff  }
0x1bc: {  	[tilespmem:s21+$0xFFFFFF10] =	vst v2;
	v2 =	vld.idx.msk [tilespmem:v14+s5+$0x0], $0xffff  }
0x1bd: {  	[tilespmem:s21+$0xFFFFFF20] =	vst v3;
	v3 =	vld.idx.msk [tilespmem:v15+s5+$0x0], $0xffff  }
0x1be: {  	[tilespmem:s21+$0xFFFFFF30] =	vst v4;
	v4 =	vld.idx.msk [tilespmem:v16+s5+$0x0], $0xffff  }
0x1bf: {  	[tilespmem:s21+$0xFFFFFF40] =	vst v0;
	v0 =	vld.idx.msk [tilespmem:v17+s5+$0x0], $0xffff  }
0x1c0: {  	[tilespmem:s21+$0xFFFFFF50] =	vst v5;
	v5 =	vld.idx.msk [tilespmem:v18+s5+$0x0], $0xffff  }
0x1c1: {  	[tilespmem:s21+$0xFFFFFF60] =	vst v1;
	v1 =	vld.idx.msk [tilespmem:v19+s5+$0x0], $0xffff  }
0x1c2: {  	[tilespmem:s21+$0xFFFFFF70] =	vst v2;
	v2 =	vld.idx.msk [tilespmem:v20+s5+$0x0], $0xffff  }
0x1c3: {  	[tilespmem:s21+$0x0] =	vst v3;
	v3 =	vld.idx.msk [tilespmem:v21+s5+$0x0], $0xffff  }
0x1c4: {  	[tilespmem:s21+$0x10] =	vst v4;
	v4 =	vld.idx.msk [tilespmem:v22+s5+$0x0], $0xffff  }
0x1c5: {  	[tilespmem:s21+$0x20] =	vst v0;
	v6 =	vld.idx.msk [tilespmem:v23+s5+$0x0], $0xffff  }
0x1c6: {  	[tilespmem:s21+$0x30] =	vst v5;
	v0 =	vld.idx.msk [tilespmem:v24+s5+$0x0], $0xffff  }
.Ltmp7:
0x1c7: {  	[tilespmem:s21+$0x40] =	vst v1;
	v1 =	vld.idx.msk [tilespmem:v25+s5+$0x0], $0xffff;
	(pc) =	sbr.rel @p0 .LBB2_15-.Ltmp7, $4  }
0x1c8: {  	[tilespmem:s21+$0x50] =	vst v2;
	v2 =	vld.idx.msk [tilespmem:v26+s5+$0x0], $0xffff  }
0x1c9: {  	[tilespmem:s21+$0x60] =	vst v3;
	v3 =	vld.idx.msk [tilespmem:v27+s5+$0x0], $0xffff  }
0x1ca: {  	[tilespmem:s21+$0x70] =	vst v4;
	v4 =	vld.idx.msk [tilespmem:v28+s5+$0x0], $0xffff  }
0x1cb: {  	s23 =	sadd.s32 $0x200, s23;
	[tilespmem:s21+$0x100] =	vst v6;
	v5 =	vld.idx.msk [tilespmem:v29+s5+$0x0], $0xffff  }
0x1cc: {  	[tilespmem:s21+$0x110] =	vst v0  }
0x1cd: {  	[tilespmem:s21+$0x120] =	vst v1  }
0x1ce: {  	[tilespmem:s21+$0x130] =	vst v2  }
0x1cf: {  	[tilespmem:s21+$0x140] =	vst v3  }
0x1d0: {  	s22 =	simm.s32 $0x80;
	[tilespmem:s21+$0x150] =	vst v4  }
0x1d1: {  	s24 =	sadd.s32 $0x0, s20;
	s23 =	simm.s32 $0x1D800;
	[tilespmem:s21+$0x160] =	vst v5;
	s21 =	simm.s32 $0x1D700  }
.LBB2_17:
0x1d2: {  	[hbm4b:s24+s5] =	stream.linear.scatter [tilespmem:s21], [sflag:$0x2], $0x80, $0x38;
	[tilespmem:$0x1FF00] =	vst v63  }
0x1d3: {  	s24 =	smov.u32 s22;
	s21 =	smov.u32 s23;
	p0 =	sne.s32 s22, $0x1380  }
.Ltmp8:
0x1d4: {  	s22 =	sadd.s32 $0x80, s22;
	(pc) =	sbr.rel @p0 .LBB2_17-.Ltmp8, $2  }
0x1d5: {  	_ =	sdelay $0x2  }
0x1d6: {  	s23 =	sadd.s32 $0x100, s23;
	s24 =	sadd.s32 s24, s20  }
0x1d7: {  	[hbm4b:s24+s5] =	stream.linear.scatter [tilespmem:s21], [sflag:$0x2], $0x80, $0x38;
	[tilespmem:$0x1FF00] =	vst v63  }
0x1d8: {  	_ =	swait.ge [sflag:s15], $0x1400  }
0x1d9: {  	[sflag:s15] =	ssyncset.done $0x0  }
0x1da: {  	s31 =	simm.s32 $0x1C4F0;
	[sflag:s15] =	ssyncadd.s32 $0xFFFFEC00  }
0x1db: {  	v0 =	vld [tilespmem:s31+$0x0]  }
0x1dc: {  	v1 =	vld [tilespmem:s31+$0xFFFFFE20]  }
0x1dd: {  	v2 =	vld [tilespmem:s31+$0xFFFFFE30]  }
0x1de: {  	v3 =	vld [tilespmem:s31+$0xFFFFFE40]  }
0x1df: {  	v4 =	vld [tilespmem:s31+$0xFFFFFE50]  }
0x1e0: {  	v5 =	vld [tilespmem:s31+$0xFFFFFE60]  }
0x1e1: {  	v6 =	vld [tilespmem:s31+$0xFFFFFE70]  }
0x1e2: {  	v7 =	vld [tilespmem:s31+$0xFFFFFE80]  }
0x1e3: {  	v8 =	vld [tilespmem:s31+$0xFFFFFE90]  }
0x1e4: {  	v9 =	vld [tilespmem:s31+$0xFFFFFEA0]  }
0x1e5: {  	v10 =	vld [tilespmem:s31+$0xFFFFFEB0]  }
0x1e6: {  	v11 =	vld [tilespmem:s31+$0xFFFFFEC0]  }
0x1e7: {  	v12 =	vld [tilespmem:s31+$0xFFFFFED0]  }
0x1e8: {  	v13 =	vld [tilespmem:s31+$0xFFFFFEE0]  }
0x1e9: {  	v14 =	vld [tilespmem:s31+$0xFFFFFEF0]  }
0x1ea: {  	v15 =	vld [tilespmem:s31+$0xFFFFFF00]  }
0x1eb: {  	v16 =	vld [tilespmem:s31+$0xFFFFFF10]  }
0x1ec: {  	v17 =	vld [tilespmem:s31+$0xFFFFFF20]  }
0x1ed: {  	v18 =	vld [tilespmem:s31+$0xFFFFFF30]  }
0x1ee: {  	v19 =	vld [tilespmem:s31+$0xFFFFFF40]  }
0x1ef: {  	v20 =	vld [tilespmem:s31+$0xFFFFFF50]  }
0x1f0: {  	v21 =	vld [tilespmem:s31+$0xFFFFFF60]  }
0x1f1: {  	v22 =	vld [tilespmem:s31+$0xFFFFFF70]  }
0x1f2: {  	v23 =	vld [tilespmem:s31+$0xFFFFFF80]  }
0x1f3: {  	v24 =	vld [tilespmem:s31+$0xFFFFFF90]  }
0x1f4: {  	v25 =	vld [tilespmem:s31+$0xFFFFFFA0]  }
0x1f5: {  	v26 =	vld [tilespmem:s31+$0xFFFFFFB0]  }
0x1f6: {  	v27 =	vld [tilespmem:s31+$0xFFFFFFC0]  }
0x1f7: {  	v28 =	vld [tilespmem:s31+$0xFFFFFFD0]  }
0x1f8: {  	v29 =	vld [tilespmem:s31+$0xFFFFFFE0]  }
0x1f9: {  	v30 =	vld [tilespmem:s31+$0xFFFFFFF0]  }
0x1fa: {  	v31 =	vld [tilespmem:s31+$0xFFFFFE10]  }
0x1fb: {  	v0 =	vld.idx.msk [tilespmem:v0+s5+$0x0], $0xffff  }
0x1fc: {  	v1 =	vld.idx.msk [tilespmem:v1+s5+$0x0], $0xffff  }
0x1fd: {  	v2 =	vld.idx.msk [tilespmem:v2+s5+$0x0], $0xffff  }
0x1fe: {  	v3 =	vld.idx.msk [tilespmem:v3+s5+$0x0], $0xffff  }
0x1ff: {  	v4 =	vld.idx.msk [tilespmem:v4+s5+$0x0], $0xffff  }
0x200: {  	s20 =	simm.s32 $0x1D980;
	v5 =	vld.idx.msk [tilespmem:v5+s5+$0x0], $0xffff  }
0x201: {  	[tilespmem:s20+$0x170] =	vst v0;
	v0 =	vld.idx.msk [tilespmem:v6+s5+$0x0], $0xffff  }
0x202: {  	[tilespmem:s20+$0xFFFFFE10] =	vst v1;
	v1 =	vld.idx.msk [tilespmem:v7+s5+$0x0], $0xffff  }
0x203: {  	v6 =	vld.idx.msk [tilespmem:v31+s5+$0x0], $0xffff;
	[tilespmem:s20+$0xFFFFFE20] =	vst v2  }
0x204: {  	[tilespmem:s20+$0xFFFFFE30] =	vst v3;
	v2 =	vld.idx.msk [tilespmem:v8+s5+$0x0], $0xffff  }
0x205: {  	[tilespmem:s20+$0xFFFFFE40] =	vst v4;
	v3 =	vld.idx.msk [tilespmem:v9+s5+$0x0], $0xffff  }
0x206: {  	[tilespmem:s20+$0xFFFFFE50] =	vst v5;
	v4 =	vld.idx.msk [tilespmem:v10+s5+$0x0], $0xffff  }
0x207: {  	v5 =	vld.idx.msk [tilespmem:v13+s5+$0x0], $0xffff;
	[tilespmem:s20+$0xFFFFFE60] =	vst v0  }
0x208: {  	v7 =	vld.idx.msk [tilespmem:v24+s5+$0x0], $0xffff;
	[tilespmem:s20+$0xFFFFFE70] =	vst v1  }
0x209: {  	v0 =	vld.idx.msk [tilespmem:v11+s5+$0x0], $0xffff;
	[tilespmem:s20+$0xFFFFFE00] =	vst v6  }
0x20a: {  	v1 =	vld.idx.msk [tilespmem:v12+s5+$0x0], $0xffff;
	[tilespmem:s20+$0xFFFFFF00] =	vst v2  }
0x20b: {  	v2 =	vld.idx.msk [tilespmem:v14+s5+$0x0], $0xffff;
	[tilespmem:s20+$0xFFFFFF10] =	vst v3  }
0x20c: {  	v3 =	vld.idx.msk [tilespmem:v15+s5+$0x0], $0xffff;
	[tilespmem:s20+$0xFFFFFF20] =	vst v4  }
0x20d: {  	v4 =	vld.idx.msk [tilespmem:v16+s5+$0x0], $0xffff;
	[tilespmem:s20+$0xFFFFFF50] =	vst v5  }
0x20e: {  	v5 =	vld.idx.msk [tilespmem:v19+s5+$0x0], $0xffff;
	[tilespmem:s20+$0x100] =	vst v7  }
0x20f: {  	v6 =	vld.idx.msk [tilespmem:v23+s5+$0x0], $0xffff;
	[tilespmem:s20+$0xFFFFFF30] =	vst v0  }
0x210: {  	v0 =	vld.idx.msk [tilespmem:v17+s5+$0x0], $0xffff;
	[tilespmem:s20+$0xFFFFFF40] =	vst v1  }
0x211: {  	v1 =	vld.idx.msk [tilespmem:v18+s5+$0x0], $0xffff;
	[tilespmem:s20+$0xFFFFFF60] =	vst v2  }
0x212: {  	v2 =	vld.idx.msk [tilespmem:v20+s5+$0x0], $0xffff;
	[tilespmem:s20+$0xFFFFFF70] =	vst v3  }
0x213: {  	v3 =	vld.idx.msk [tilespmem:v21+s5+$0x0], $0xffff;
	[tilespmem:s20+$0x0] =	vst v4  }
0x214: {  	v4 =	vld.idx.msk [tilespmem:v22+s5+$0x0], $0xffff;
	[tilespmem:s20+$0x30] =	vst v5  }
0x215: {  	[tilespmem:s20+$0x70] =	vst v6;
	v5 =	vld.idx.msk [tilespmem:v30+s5+$0x0], $0xffff  }
0x216: {  	[tilespmem:s20+$0x10] =	vst v0;
	v0 =	vld.idx.msk [tilespmem:v25+s5+$0x0], $0xffff  }
0x217: {  	[tilespmem:s20+$0x20] =	vst v1;
	v1 =	vld.idx.msk [tilespmem:v26+s5+$0x0], $0xffff  }
0x218: {  	s19 =	sadd.s32 $0x1E000, s19;
	[tilespmem:s20+$0x40] =	vst v2;
	v2 =	vld.idx.msk [tilespmem:v27+s5+$0x0], $0xffff  }
0x219: {  	s19 =	sshrl.u32 s19, $0x3;
	[tilespmem:s20+$0x50] =	vst v3;
	v3 =	vld.idx.msk [tilespmem:v28+s5+$0x0], $0xffff  }
0x21a: {  	s21 =	simm.s32 $0x0;
	s22 =	simm.s32 $0x1C6F0;
	s19 =	sadd.s32 s6, s19;
	[tilespmem:s20+$0x60] =	vst v4;
	v4 =	vld.idx.msk [tilespmem:v29+s5+$0x0], $0xffff  }
.LBB2_19:
0x21b: {  	v6 =	vld [tilespmem:s22+$0x0];
	s21 =	sadd.s32 $0x20, s21;
	[tilespmem:s20+$0x110] =	vst v0  }
0x21c: {  	v0 =	vld [tilespmem:s22+$0xFFFFFE20];
	p0 =	slt.u32 s21, $0x120;
	[tilespmem:s20+$0x120] =	vst v1  }
0x21d: {  	v1 =	vld [tilespmem:s22+$0xFFFFFE30];
	[tilespmem:s20+$0x130] =	vst v2  }
0x21e: {  	v2 =	vld [tilespmem:s22+$0xFFFFFE40];
	[tilespmem:s20+$0x140] =	vst v3  }
0x21f: {  	v3 =	vld [tilespmem:s22+$0xFFFFFE50];
	[tilespmem:s20+$0x150] =	vst v4  }
0x220: {  	v4 =	vld [tilespmem:s22+$0xFFFFFE60];
	[tilespmem:s20+$0x160] =	vst v5  }
0x221: {  	v5 =	vld [tilespmem:s22+$0xFFFFFE70]  }
0x222: {  	v7 =	vld [tilespmem:s22+$0xFFFFFE80]  }
0x223: {  	v6 =	vld.idx.msk [tilespmem:v6+s5+$0x0], $0xffff  }
0x224: {  	v8 =	vld [tilespmem:s22+$0xFFFFFE90]  }
0x225: {  	v9 =	vld [tilespmem:s22+$0xFFFFFEA0]  }
0x226: {  	v10 =	vld [tilespmem:s22+$0xFFFFFEB0]  }
0x227: {  	v11 =	vld [tilespmem:s22+$0xFFFFFEC0]  }
0x228: {  	s20 =	sadd.s32 $0x400, s20;
	v12 =	vld [tilespmem:s22+$0xFFFFFED0]  }
0x229: {  	v13 =	vld [tilespmem:s22+$0xFFFFFEE0];
	[tilespmem:s20+$0x170] =	vst v6  }
0x22a: {  	v6 =	vld [tilespmem:s22+$0xFFFFFEF0]  }
0x22b: {  	v14 =	vld [tilespmem:s22+$0xFFFFFF00]  }
0x22c: {  	v15 =	vld [tilespmem:s22+$0xFFFFFF10]  }
0x22d: {  	v16 =	vld [tilespmem:s22+$0xFFFFFF20]  }
0x22e: {  	v17 =	vld [tilespmem:s22+$0xFFFFFF30]  }
0x22f: {  	v18 =	vld [tilespmem:s22+$0xFFFFFF40]  }
0x230: {  	v19 =	vld [tilespmem:s22+$0xFFFFFF50]  }
0x231: {  	v20 =	vld [tilespmem:s22+$0xFFFFFF60]  }
0x232: {  	v21 =	vld [tilespmem:s22+$0xFFFFFF70]  }
0x233: {  	v22 =	vld [tilespmem:s22+$0xFFFFFF80]  }
0x234: {  	v23 =	vld [tilespmem:s22+$0xFFFFFF90]  }
0x235: {  	v24 =	vld [tilespmem:s22+$0xFFFFFFA0]  }
0x236: {  	v25 =	vld [tilespmem:s22+$0xFFFFFFB0]  }
0x237: {  	v26 =	vld [tilespmem:s22+$0xFFFFFFC0]  }
0x238: {  	v27 =	vld [tilespmem:s22+$0xFFFFFFD0]  }
0x239: {  	v28 =	vld [tilespmem:s22+$0xFFFFFFE0]  }
0x23a: {  	v29 =	vld [tilespmem:s22+$0xFFFFFFF0]  }
0x23b: {  	v30 =	vld [tilespmem:s22+$0xFFFFFE10]  }
0x23c: {  	v0 =	vld.idx.msk [tilespmem:v0+s5+$0x0], $0xffff  }
0x23d: {  	v1 =	vld.idx.msk [tilespmem:v1+s5+$0x0], $0xffff  }
0x23e: {  	v2 =	vld.idx.msk [tilespmem:v2+s5+$0x0], $0xffff  }
0x23f: {  	v3 =	vld.idx.msk [tilespmem:v3+s5+$0x0], $0xffff  }
0x240: {  	v4 =	vld.idx.msk [tilespmem:v4+s5+$0x0], $0xffff  }
0x241: {  	v5 =	vld.idx.msk [tilespmem:v5+s5+$0x0], $0xffff  }
0x242: {  	[tilespmem:s20+$0xFFFFFE10] =	vst v0;
	v0 =	vld.idx.msk [tilespmem:v7+s5+$0x0], $0xffff  }
0x243: {  	v7 =	vld.idx.msk [tilespmem:v30+s5+$0x0], $0xffff;
	[tilespmem:s20+$0xFFFFFE20] =	vst v1  }
0x244: {  	[tilespmem:s20+$0xFFFFFE30] =	vst v2;
	v1 =	vld.idx.msk [tilespmem:v8+s5+$0x0], $0xffff  }
0x245: {  	[tilespmem:s20+$0xFFFFFE40] =	vst v3;
	v2 =	vld.idx.msk [tilespmem:v9+s5+$0x0], $0xffff  }
0x246: {  	[tilespmem:s20+$0xFFFFFE50] =	vst v4;
	v3 =	vld.idx.msk [tilespmem:v10+s5+$0x0], $0xffff  }
0x247: {  	[tilespmem:s20+$0xFFFFFE60] =	vst v5;
	v4 =	vld.idx.msk [tilespmem:v11+s5+$0x0], $0xffff  }
0x248: {  	[tilespmem:s20+$0xFFFFFE70] =	vst v0;
	v0 =	vld.idx.msk [tilespmem:v12+s5+$0x0], $0xffff  }
0x249: {  	[tilespmem:s20+$0xFFFFFE00] =	vst v7;
	v5 =	vld.idx.msk [tilespmem:v13+s5+$0x0], $0xffff  }
0x24a: {  	[tilespmem:s20+$0xFFFFFF00] =	vst v1;
	v1 =	vld.idx.msk [tilespmem:v6+s5+$0x0], $0xffff  }
0x24b: {  	[tilespmem:s20+$0xFFFFFF10] =	vst v2;
	v2 =	vld.idx.msk [tilespmem:v14+s5+$0x0], $0xffff  }
0x24c: {  	[tilespmem:s20+$0xFFFFFF20] =	vst v3;
	v3 =	vld.idx.msk [tilespmem:v15+s5+$0x0], $0xffff  }
0x24d: {  	[tilespmem:s20+$0xFFFFFF30] =	vst v4;
	v4 =	vld.idx.msk [tilespmem:v16+s5+$0x0], $0xffff  }
0x24e: {  	[tilespmem:s20+$0xFFFFFF40] =	vst v0;
	v0 =	vld.idx.msk [tilespmem:v17+s5+$0x0], $0xffff  }
0x24f: {  	[tilespmem:s20+$0xFFFFFF50] =	vst v5;
	v5 =	vld.idx.msk [tilespmem:v18+s5+$0x0], $0xffff  }
0x250: {  	[tilespmem:s20+$0xFFFFFF60] =	vst v1;
	v1 =	vld.idx.msk [tilespmem:v19+s5+$0x0], $0xffff  }
0x251: {  	[tilespmem:s20+$0xFFFFFF70] =	vst v2;
	v2 =	vld.idx.msk [tilespmem:v20+s5+$0x0], $0xffff  }
0x252: {  	[tilespmem:s20+$0x0] =	vst v3;
	v3 =	vld.idx.msk [tilespmem:v21+s5+$0x0], $0xffff  }
0x253: {  	[tilespmem:s20+$0x10] =	vst v4;
	v4 =	vld.idx.msk [tilespmem:v22+s5+$0x0], $0xffff  }
0x254: {  	[tilespmem:s20+$0x20] =	vst v0;
	v6 =	vld.idx.msk [tilespmem:v23+s5+$0x0], $0xffff  }
0x255: {  	[tilespmem:s20+$0x30] =	vst v5;
	v0 =	vld.idx.msk [tilespmem:v24+s5+$0x0], $0xffff  }
.Ltmp9:
0x256: {  	[tilespmem:s20+$0x40] =	vst v1;
	v1 =	vld.idx.msk [tilespmem:v25+s5+$0x0], $0xffff;
	(pc) =	sbr.rel @p0 .LBB2_19-.Ltmp9, $4  }
0x257: {  	[tilespmem:s20+$0x50] =	vst v2;
	v2 =	vld.idx.msk [tilespmem:v26+s5+$0x0], $0xffff  }
0x258: {  	[tilespmem:s20+$0x60] =	vst v3;
	v3 =	vld.idx.msk [tilespmem:v27+s5+$0x0], $0xffff  }
0x259: {  	[tilespmem:s20+$0x70] =	vst v4;
	v4 =	vld.idx.msk [tilespmem:v28+s5+$0x0], $0xffff  }
0x25a: {  	s22 =	sadd.s32 $0x200, s22;
	[tilespmem:s20+$0x100] =	vst v6;
	v5 =	vld.idx.msk [tilespmem:v29+s5+$0x0], $0xffff  }
0x25b: {  	[tilespmem:s20+$0x110] =	vst v0  }
0x25c: {  	[tilespmem:s20+$0x120] =	vst v1  }
0x25d: {  	[tilespmem:s20+$0x130] =	vst v2  }
0x25e: {  	[tilespmem:s20+$0x140] =	vst v3  }
0x25f: {  	s21 =	simm.s32 $0x80;
	[tilespmem:s20+$0x150] =	vst v4  }
0x260: {  	s23 =	sadd.s32 $0x0, s19;
	s22 =	simm.s32 $0x1D880;
	[tilespmem:s20+$0x160] =	vst v5;
	s20 =	simm.s32 $0x1D780  }
.LBB2_21:
0x261: {  	[hbm4b:s23+s5] =	stream.linear.scatter [tilespmem:s20], [sflag:$0x3], $0x80, $0x38;
	[tilespmem:$0x1FF00] =	vst v63  }
0x262: {  	s23 =	smov.u32 s21;
	s20 =	smov.u32 s22;
	p0 =	sne.s32 s21, $0x1380  }
.Ltmp10:
0x263: {  	s21 =	sadd.s32 $0x80, s21;
	(pc) =	sbr.rel @p0 .LBB2_21-.Ltmp10, $2  }
0x264: {  	_ =	sdelay $0x2  }
0x265: {  	s22 =	sadd.s32 $0x100, s22;
	s23 =	sadd.s32 s23, s19  }
0x266: {  	[hbm4b:s23+s5] =	stream.linear.scatter [tilespmem:s20], [sflag:$0x3], $0x80, $0x38;
	[tilespmem:$0x1FF00] =	vst v63  }
0x267: {  	p0 =	seq.s32 s17, $0x19  }
0x268: {  	s18 =	sadd.s32 @!p0 $0x1, s18  }
0x269: {  	s19 =	sshrl.u32 @!p0 s18, $0x5;
	s20 =	sshrl.u32 @!p0 s18, $0x3  }
0x26a: {  	s19 =	smul.u32 @!p0 $0x30E000, s19;
	s20 =	sand.u32 @!p0 $0x3, s20  }
0x26b: {  	s20 =	smul.u32 @!p0 $0xC3800, s20  }
0x26c: {  	s18 =	sshll.u32 @!p0 s18, $0x7  }
0x26d: {  	s18 =	sand.u32 @!p0 $0x380, s18;
	s19 =	sadd.s32 @!p0 s19, s20  }
0x26e: {  	s17 =	sadd.s32 @!p0 $0x1, s17;
	s18 =	sor.u32 @!p0 s18, s19  }
0x26f: {  	s21 =	simm.s32 @!p0 $0x0;
	p1 =	sne.s32 @!p0 s17, $0x1A;
	s18 =	sshrl.u32 @!p0 s18, $0x3  }
0x270: {  	s20 =	simm.s32 @!p0 $0x400;
	s19 =	simm.s32 @!p0 $0x80;
	s18 =	sadd.s32 @!p0 s2, s18  }
0x271: {  	[tilespmem:s21], [sflag:$0x1] =	stream.strided.gather @!p0 [hbm4b:s18+s19], $0x18700, s20, s19, $0x38;
	[tilespmem:$0x1FF00] =	vst v63  }
0x272: {  	p0 =	por p0, !p1  }
.Ltmp11:
0x273: {  	_ = 	snop;
	(pc) =	sbr.rel @!p0 .LBB2_2-.Ltmp11, $1  }
0x274: {  	_ =	sdelay $0x3  }
0x275: {  	s16 =	sadd.s32 $0x1, s16  }
0x276: {  	_ =	swait.ge [sflag:s14], $0x1400;
	p0 =	sne.s32 s16, s8  }
.Ltmp12:
0x277: {  	[sflag:s14] =	ssyncset.done $0x0;
	(pc) =	sbr.rel @p0 .LBB2_1-.Ltmp12, $4  }
0x278: {  	[sflag:s14] =	ssyncadd.s32 $0xFFFFEC00  }
0x279: {  	_ =	swait.ge [sflag:s15], $0x1400  }
0x27a: {  	[sflag:s15] =	ssyncset.done $0x0  }
0x27b: {  	[sflag:s15] =	ssyncadd.s32 $0xFFFFEC00  }
0x27c: {  	_ =	sfence.sel $0x180000  }
0x27d: {  	[bflag:$0x0] =	sbarrier.arrive $0xFFFF  }
0x27e: {  	p0 =	sne.s32 s0, $0x0;
	_ =	strace $0x90000047  }
0x27f: {  	s0 =	sadd.s32 @!p0 $0x100000, s3;
	[bflag:$0x2] =	sbarrier.arrive $0xFFFF  }
0x280: {  	[sflag:s0] =	ssyncadd.tile.s32 @!p0 $0x1;
	_ =	shalt  }
.Lfunc_end2:
_tile_overlayer_lowered:
.L_overlay_start_2:
0x281: {  	(tag) =	ssettag $0x2  }
0x282: {  	s0 =	rddreg [dreg:$0x0];
	s2 =	stileid.u32  }
0x283: {  	s1 =	rddreg [dreg:$0x1];
	p0 =	sne.s32 s2, $0x0  }
0x284: {  	s3 =	rddreg [dreg:$0x2];
	[bflag:$0x3] =	sbarrier.arrive $0xFFFF;
	s2 =	simm.s32 @!p0 $0x1C04  }
0x285: {  	[timem:s3], [sflag:s2] =	dma.local @!p0 [hbm:s0], s1  }
0x286: {  	s0 =	simm.s32 @!p0 $0x4  }
0x287: {  	_ =	swait.ge @!p0 [sflag:s0], s1  }
0x288: {  	s1 =	ssub.s32 @!p0 $0x0, s1;
	[sflag:s0] =	ssyncset.done @!p0 $0x0  }
0x289: {  	[sflag:s0] =	ssyncadd.s32 @!p0 s1  }
0x28a: {  	[bflag:$0x3] =	sbarrier.arrive $0xFFFF  }
0x28b: {  	_ =	shalt  }

</sc_bundles>
